<compile_context>
chip_gen: v7x
topology: tpu7x:2x2x1
jax: 0.10.2.dev20260603
libtpu: 0.0.44.dev20260713+nightly
codegen_flags: <defaults>
</compile_context>

<pallas_src>
import functools

import jax
import jax.numpy as jnp
from jax import lax
from jax.experimental import pallas as pl
from jax.experimental.pallas import tpu as pltpu
from jax.experimental.pallas import tpu_sc as plsc

_GAMMA = 12.0
_B = 16384
_D = 128
_NC = 2
_NS = 16
_NW = _NC * _NS
_BPW = _B // _NW
_CH = 128
_NCHUNK = _BPW // _CH


def _tec_body(hid, rid, tid, ent, rel, out,
              idx_h, idx_r, idx_t, ob, tacc,
              hr0, t0, hr1, t1, sem0, sem1):
    wid = lax.axis_index("s") * _NC + lax.axis_index("c")

    idx_cps = (
        pltpu.async_copy(hid.at[wid], idx_h, sem0),
        pltpu.async_copy(rid.at[wid], idx_r, sem0),
        pltpu.async_copy(tid.at[wid], idx_t, sem0),
    )

    iv = lax.iota(jnp.int32, 16)
    zv = jnp.zeros((16,), jnp.float32)

    bufs = ((hr0, t0, sem0), (hr1, t1, sem1))

    def zero(b):
        hb, _, _ = bufs[b]

        def zrow(r, _):
            for j in range(_D // 16):
                hb[r, pl.ds(j * 16, 16)] = zv
            return 0

        lax.fori_loop(0, _CH, zrow, 0)

    def start(c):
        hb, tb, sem = bufs[c % 2]
        return (
            pltpu.async_copy(ent.at[idx_h.at[c]], hb, sem, add=True),
            pltpu.async_copy(rel.at[idx_r.at[c]], hb, sem, add=True),
            pltpu.async_copy(ent.at[idx_t.at[c]], tb, sem),
        )

    iv17 = iv * 17

    def compute(c, rezero):
        hb, tb, _ = bufs[c % 2]

        def group(g, _):
            def row_body(k, _):
                r = g * 16 + k
                acc0 = jnp.zeros((16,), jnp.float32)
                acc1 = jnp.zeros((16,), jnp.float32)
                for j in range(_D // 16):
                    sl = pl.ds(j * 16, 16)
                    d = hb[r, sl] - tb[r, sl]
                    if j % 2 == 0:
                        acc0 = acc0 + jnp.abs(d)
                    else:
                        acc1 = acc1 + jnp.abs(d)
                if rezero:
                    for j in range(_D // 16):
                        hb[r, pl.ds(j * 16, 16)] = zv
                plsc.store_scatter(tacc, [iv17 + k], acc0 + acc1)
                return 0

            lax.fori_loop(0, 16, row_body, 0)
            tot = jnp.zeros((16,), jnp.float32)
            for l in range(16):
                tot = tot + tacc[pl.ds(l * 17, 16)]
            ob[pl.ds(c * _CH + g * 16, 16)] = _GAMMA - tot
            return 0

        lax.fori_loop(0, _CH // 16, group, 0)

    zero(0)
    zero(1)
    for cp in idx_cps:
        cp.wait()
    pend0 = start(0)
    pend1 = start(1)
    pending = (pend0, pend1)
    for c in range(_NCHUNK):
        for cp in pending[0]:
            cp.wait()
        nxt = None
        compute(c, rezero=c + 2 < _NCHUNK)
        if c + 2 < _NCHUNK:
            nxt = start(c + 2)
        pending = (pending[1], nxt)

    pltpu.sync_copy(ob, out.at[pl.ds(wid * _BPW, _BPW)])


@functools.partial(
    pl.kernel,
    out_type=jax.ShapeDtypeStruct((_B,), jnp.float32),
    mesh=plsc.VectorSubcoreMesh(
        core_axis_name="c", subcore_axis_name="s",
        num_cores=_NC, num_subcores=_NS),
    compiler_params=pltpu.CompilerParams(needs_layout_passes=False),
    scratch_types=[
        pltpu.VMEM((_NCHUNK, _CH), jnp.int32),
        pltpu.VMEM((_NCHUNK, _CH), jnp.int32),
        pltpu.VMEM((_NCHUNK, _CH), jnp.int32),
        pltpu.VMEM((_BPW,), jnp.float32),
        pltpu.VMEM((16 * 17,), jnp.float32),
        pltpu.VMEM((_CH, _D), jnp.float32),
        pltpu.VMEM((_CH, _D), jnp.float32),
        pltpu.VMEM((_CH, _D), jnp.float32),
        pltpu.VMEM((_CH, _D), jnp.float32),
        pltpu.SemaphoreType.DMA,
        pltpu.SemaphoreType.DMA,
    ],
)
def _sc_score(hid, rid, tid, ent, rel, out, *scratch):
    _tec_body(hid, rid, tid, ent, rel, out, *scratch)


def kernel(sample, entity_embedding, relation_embedding):
    s = sample.astype(jnp.int32)
    hid = s[:, 0].reshape(_NW, _NCHUNK, _CH)
    rid = s[:, 1].reshape(_NW, _NCHUNK, _CH)
    tid = s[:, 2].reshape(_NW, _NCHUNK, _CH)
    out = _sc_score(hid, rid, tid, entity_embedding, relation_embedding)
    return out.reshape(_B, 1)

# --- scband reference (transcript-rebuilt; emitter-appended) ---
"""Pipeline reference for scband-kgemodel-70824010711141 (READ-ONLY COPY).

The authoritative reference and input builder live on the scoring server;
editing this copy changes nothing except your own understanding.
"""

import jax, jax.numpy as jnp
import numpy as np

NENTITY = 100000
NRELATION = 100000
HIDDEN_DIM = 128
GAMMA = 12.0
EPSILON = 2.0
EMB_RANGE = (GAMMA + EPSILON) / HIDDEN_DIM
BATCH = 16384


def setup_inputs(seed: int = 0) -> dict:
    key = jax.random.key(seed)
    k1, k2, k3 = jax.random.split(key, 3)
    sample = jax.random.randint(k1, (BATCH, 3), 0, 100000, dtype=jnp.int64 if jax.config.jax_enable_x64 else jnp.int32)
    entity_embedding = jax.random.uniform(k2, (NENTITY, HIDDEN_DIM), dtype=jnp.float32, minval=-EMB_RANGE, maxval=EMB_RANGE)
    relation_embedding = jax.random.uniform(k3, (NRELATION, HIDDEN_DIM), dtype=jnp.float32, minval=-EMB_RANGE, maxval=EMB_RANGE)
    return {"sample": sample, "entity_embedding": entity_embedding, "relation_embedding": relation_embedding}


def reference(sample, entity_embedding, relation_embedding):
    # mode == 'single': sample is [B, 3] of (head, relation, tail) ids
    head = jnp.take(entity_embedding, sample[:, 0], axis=0)[:, None, :]      # [B, 1, D]
    relation = jnp.take(relation_embedding, sample[:, 1], axis=0)[:, None, :]  # [B, 1, D]
    tail = jnp.take(entity_embedding, sample[:, 2], axis=0)[:, None, :]      # [B, 1, D]
    # TransE score: gamma - || h + r - t ||_1 along feature dim
    score = head + relation - tail
    score = GAMMA - jnp.sum(jnp.abs(score), axis=2)                          # [B, 1]
    return score

if __name__ == "__main__":
    import jax
    _d = setup_inputs()
    print(jax.jit(kernel)(*tuple(_d.values())))

</pallas_src>

<mosaic_0001>
#map = affine_map<(d0, d1) -> (0, 0, 0)>
#map1 = affine_map<(d0, d1) -> (0, 0)>
#map2 = affine_map<(d0, d1) -> (0)>
module attributes {stable_mosaic.version = 14 : i64} {
  func.func @_sc_score(%arg0: i32, %arg1: i32, %arg2: memref<32x4x128xi32, #tpu.memory_space<hbm>>, %arg3: memref<32x4x128xi32, #tpu.memory_space<hbm>>, %arg4: memref<32x4x128xi32, #tpu.memory_space<hbm>>, %arg5: memref<100000x128xf32, #tpu.memory_space<hbm>>, %arg6: memref<100000x128xf32, #tpu.memory_space<hbm>>, %arg7: memref<16384xf32, #tpu.memory_space<hbm>>, %arg8: memref<4x128xi32, #tpu.memory_space<vmem>>, %arg9: memref<4x128xi32, #tpu.memory_space<vmem>>, %arg10: memref<4x128xi32, #tpu.memory_space<vmem>>, %arg11: memref<512xf32, #tpu.memory_space<vmem>>, %arg12: memref<272xf32, #tpu.memory_space<vmem>>, %arg13: memref<128x128xf32, #tpu.memory_space<vmem>>, %arg14: memref<128x128xf32, #tpu.memory_space<vmem>>, %arg15: memref<128x128xf32, #tpu.memory_space<vmem>>, %arg16: memref<128x128xf32, #tpu.memory_space<vmem>>, %arg17: memref<!tpu.dma_semaphore, #tpu.memory_space<semaphore_mem>>, %arg18: memref<!tpu.dma_semaphore, #tpu.memory_space<semaphore_mem>>) attributes {dimension_semantics = [#tpu.dimension_semantics<core_parallel>, #tpu.dimension_semantics<subcore_parallel>], iteration_bounds = array<i64: 2, 16>, scalar_prefetch = 0 : i64, scratch_operands = 11 : i64, tpu.core_type = #tpu.core_type<sc_vector_subcore>, window_params = [{transform_indices = #map}, {transform_indices = #map}, {transform_indices = #map}, {transform_indices = #map1}, {transform_indices = #map1}, {transform_indices = #map2}]} {
    %mul3A = arith.constant 2 : i32
    %mul3A_0 = arith.muli %arg1, %mul3A : i32
    %add3A = arith.addi %mul3A_0, %arg0 : i32
    %dma_start3A = arith.constant 0 : i32
    %dma_start3A_1 = arith.constant 0 : i32
    %dma_start3A_2 = tpu.memref_slice %arg2[%add3A, %dma_start3A, %dma_start3A_1] : memref<32x4x128xi32, #tpu.memory_space<hbm>> -> memref<1x4x128xi32, #tpu.memory_space<hbm>>
    %dma_start3A_3 = tpu.memref_squeeze %dma_start3A_2 : memref<1x4x128xi32, #tpu.memory_space<hbm>> -> memref<4x128xi32, #tpu.memory_space<hbm>>
    %dma_start3A_4 = arith.constant 0 : i32
    %dma_start3A_5 = arith.constant 0 : i32
    %dma_start3A_6 = tpu.memref_slice %arg2[%add3A, %dma_start3A_4, %dma_start3A_5] : memref<32x4x128xi32, #tpu.memory_space<hbm>> -> memref<1x4x128xi32, #tpu.memory_space<hbm>>
    %dma_start3A_7 = tpu.memref_squeeze %dma_start3A_6 : memref<1x4x128xi32, #tpu.memory_space<hbm>> -> memref<4x128xi32, #tpu.memory_space<hbm>>
    tpu.enqueue_dma source(%dma_start3A_7 : memref<4x128xi32, #tpu.memory_space<hbm>>) target(%arg8 : memref<4x128xi32, #tpu.memory_space<vmem>>) target_semaphore(%arg17 : memref<!tpu.dma_semaphore, #tpu.memory_space<semaphore_mem>>)
    %dma_start3A_8 = arith.constant 0 : i32
    %dma_start3A_9 = arith.constant 0 : i32
    %dma_start3A_10 = tpu.memref_slice %arg3[%add3A, %dma_start3A_8, %dma_start3A_9] : memref<32x4x128xi32, #tpu.memory_space<hbm>> -> memref<1x4x128xi32, #tpu.memory_space<hbm>>
    %dma_start3A_11 = tpu.memref_squeeze %dma_start3A_10 : memref<1x4x128xi32, #tpu.memory_space<hbm>> -> memref<4x128xi32, #tpu.memory_space<hbm>>
    %dma_start3A_12 = arith.constant 0 : i32
    %dma_start3A_13 = arith.constant 0 : i32
    %dma_start3A_14 = tpu.memref_slice %arg3[%add3A, %dma_start3A_12, %dma_start3A_13] : memref<32x4x128xi32, #tpu.memory_space<hbm>> -> memref<1x4x128xi32, #tpu.memory_space<hbm>>
    %dma_start3A_15 = tpu.memref_squeeze %dma_start3A_14 : memref<1x4x128xi32, #tpu.memory_space<hbm>> -> memref<4x128xi32, #tpu.memory_space<hbm>>
    tpu.enqueue_dma source(%dma_start3A_15 : memref<4x128xi32, #tpu.memory_space<hbm>>) target(%arg9 : memref<4x128xi32, #tpu.memory_space<vmem>>) target_semaphore(%arg17 : memref<!tpu.dma_semaphore, #tpu.memory_space<semaphore_mem>>)
    %dma_start3A_16 = arith.constant 0 : i32
    %dma_start3A_17 = arith.constant 0 : i32
    %dma_start3A_18 = tpu.memref_slice %arg4[%add3A, %dma_start3A_16, %dma_start3A_17] : memref<32x4x128xi32, #tpu.memory_space<hbm>> -> memref<1x4x128xi32, #tpu.memory_space<hbm>>
    %dma_start3A_19 = tpu.memref_squeeze %dma_start3A_18 : memref<1x4x128xi32, #tpu.memory_space<hbm>> -> memref<4x128xi32, #tpu.memory_space<hbm>>
    %dma_start3A_20 = arith.constant 0 : i32
    %dma_start3A_21 = arith.constant 0 : i32
    %dma_start3A_22 = tpu.memref_slice %arg4[%add3A, %dma_start3A_20, %dma_start3A_21] : memref<32x4x128xi32, #tpu.memory_space<hbm>> -> memref<1x4x128xi32, #tpu.memory_space<hbm>>
    %dma_start3A_23 = tpu.memref_squeeze %dma_start3A_22 : memref<1x4x128xi32, #tpu.memory_space<hbm>> -> memref<4x128xi32, #tpu.memory_space<hbm>>
    tpu.enqueue_dma source(%dma_start3A_23 : memref<4x128xi32, #tpu.memory_space<hbm>>) target(%arg10 : memref<4x128xi32, #tpu.memory_space<vmem>>) target_semaphore(%arg17 : memref<!tpu.dma_semaphore, #tpu.memory_space<semaphore_mem>>)
    %iota3A = tpu.iota {dimensions = array<i32: 0>} : vector<16xi32>
    %broadcast_in_dim3A = arith.constant 0.000000e+00 : f32
    %broadcast_in_dim3A_24 = vector.broadcast %broadcast_in_dim3A : f32 to vector<16xf32>
    %mul3A_25 = arith.constant 17 : i32
    %mul3A_26 = vector.broadcast %mul3A_25 : i32 to vector<16xi32>
    %mul3A_27 = arith.muli %iota3A, %mul3A_26 : vector<16xi32>
    %scan3A = arith.constant 0 : i32
    %scan3A_28 = arith.constant 0 : i32
    %scan3A_29 = arith.constant 128 : i32
    %scan3A_30 = arith.addi %scan3A_28, %scan3A_29 : i32
    %scan3A_31 = arith.constant 1 : i32
    %scan3A_32 = scf.for %scan3A_262 = %scan3A_28 to %scan3A_30 step %scan3A_31 iter_args(%scan3A_263 = %scan3A) -> (i32)  : i32 {
      %swap3A = arith.index_cast %scan3A_262 : i32 to index
      %swap3A_264 = arith.constant 0 : index
      %swap3A_265 = tpu.vector_load %arg13[%swap3A, %swap3A_264] {strides = array<i32>} : memref<128x128xf32, #tpu.memory_space<vmem>>, vector<16xf32>,
      tpu.vector_store %arg13[%swap3A, %swap3A_264], %broadcast_in_dim3A_24 {strides = array<i32>} : memref<128x128xf32, #tpu.memory_space<vmem>>, vector<16xf32>,
      %swap3A_266 = arith.index_cast %scan3A_262 : i32 to index
      %swap3A_267 = arith.constant 16 : index
      %swap3A_268 = tpu.vector_load %arg13[%swap3A_266, %swap3A_267] {strides = array<i32>} : memref<128x128xf32, #tpu.memory_space<vmem>>, vector<16xf32>,
      tpu.vector_store %arg13[%swap3A_266, %swap3A_267], %broadcast_in_dim3A_24 {strides = array<i32>} : memref<128x128xf32, #tpu.memory_space<vmem>>, vector<16xf32>,
      %swap3A_269 = arith.index_cast %scan3A_262 : i32 to index
      %swap3A_270 = arith.constant 32 : index
      %swap3A_271 = tpu.vector_load %arg13[%swap3A_269, %swap3A_270] {strides = array<i32>} : memref<128x128xf32, #tpu.memory_space<vmem>>, vector<16xf32>,
      tpu.vector_store %arg13[%swap3A_269, %swap3A_270], %broadcast_in_dim3A_24 {strides = array<i32>} : memref<128x128xf32, #tpu.memory_space<vmem>>, vector<16xf32>,
      %swap3A_272 = arith.index_cast %scan3A_262 : i32 to index
      %swap3A_273 = arith.constant 48 : index
      %swap3A_274 = tpu.vector_load %arg13[%swap3A_272, %swap3A_273] {strides = array<i32>} : memref<128x128xf32, #tpu.memory_space<vmem>>, vector<16xf32>,
      tpu.vector_store %arg13[%swap3A_272, %swap3A_273], %broadcast_in_dim3A_24 {strides = array<i32>} : memref<128x128xf32, #tpu.memory_space<vmem>>, vector<16xf32>,
      %swap3A_275 = arith.index_cast %scan3A_262 : i32 to index
      %swap3A_276 = arith.constant 64 : index
      %swap3A_277 = tpu.vector_load %arg13[%swap3A_275, %swap3A_276] {strides = array<i32>} : memref<128x128xf32, #tpu.memory_space<vmem>>, vector<16xf32>,
      tpu.vector_store %arg13[%swap3A_275, %swap3A_276], %broadcast_in_dim3A_24 {strides = array<i32>} : memref<128x128xf32, #tpu.memory_space<vmem>>, vector<16xf32>,
      %swap3A_278 = arith.index_cast %scan3A_262 : i32 to index
      %swap3A_279 = arith.constant 80 : index
      %swap3A_280 = tpu.vector_load %arg13[%swap3A_278, %swap3A_279] {strides = array<i32>} : memref<128x128xf32, #tpu.memory_space<vmem>>, vector<16xf32>,
      tpu.vector_store %arg13[%swap3A_278, %swap3A_279], %broadcast_in_dim3A_24 {strides = array<i32>} : memref<128x128xf32, #tpu.memory_space<vmem>>, vector<16xf32>,
      %swap3A_281 = arith.index_cast %scan3A_262 : i32 to index
      %swap3A_282 = arith.constant 96 : index
      %swap3A_283 = tpu.vector_load %arg13[%swap3A_281, %swap3A_282] {strides = array<i32>} : memref<128x128xf32, #tpu.memory_space<vmem>>, vector<16xf32>,
      tpu.vector_store %arg13[%swap3A_281, %swap3A_282], %broadcast_in_dim3A_24 {strides = array<i32>} : memref<128x128xf32, #tpu.memory_space<vmem>>, vector<16xf32>,
      %swap3A_284 = arith.index_cast %scan3A_262 : i32 to index
      %swap3A_285 = arith.constant 112 : index
      %swap3A_286 = tpu.vector_load %arg13[%swap3A_284, %swap3A_285] {strides = array<i32>} : memref<128x128xf32, #tpu.memory_space<vmem>>, vector<16xf32>,
      tpu.vector_store %arg13[%swap3A_284, %swap3A_285], %broadcast_in_dim3A_24 {strides = array<i32>} : memref<128x128xf32, #tpu.memory_space<vmem>>, vector<16xf32>,
      %scan3A_287 = arith.constant 0 : i32
      scf.yield %scan3A_287 : i32
    }
    %scan3A_33 = arith.constant 128 : i32
    %scan3A_34 = arith.constant 0 : i32
    %scan3A_35 = arith.constant 0 : i32
    %scan3A_36 = arith.constant 128 : i32
    %scan3A_37 = arith.addi %scan3A_35, %scan3A_36 : i32
    %scan3A_38 = arith.constant 1 : i32
    %scan3A_39 = scf.for %scan3A_262 = %scan3A_35 to %scan3A_37 step %scan3A_38 iter_args(%scan3A_263 = %scan3A_34) -> (i32)  : i32 {
      %swap3A = arith.index_cast %scan3A_262 : i32 to index
      %swap3A_264 = arith.constant 0 : index
      %swap3A_265 = tpu.vector_load %arg15[%swap3A, %swap3A_264] {strides = array<i32>} : memref<128x128xf32, #tpu.memory_space<vmem>>, vector<16xf32>,
      tpu.vector_store %arg15[%swap3A, %swap3A_264], %broadcast_in_dim3A_24 {strides = array<i32>} : memref<128x128xf32, #tpu.memory_space<vmem>>, vector<16xf32>,
      %swap3A_266 = arith.index_cast %scan3A_262 : i32 to index
      %swap3A_267 = arith.constant 16 : index
      %swap3A_268 = tpu.vector_load %arg15[%swap3A_266, %swap3A_267] {strides = array<i32>} : memref<128x128xf32, #tpu.memory_space<vmem>>, vector<16xf32>,
      tpu.vector_store %arg15[%swap3A_266, %swap3A_267], %broadcast_in_dim3A_24 {strides = array<i32>} : memref<128x128xf32, #tpu.memory_space<vmem>>, vector<16xf32>,
      %swap3A_269 = arith.index_cast %scan3A_262 : i32 to index
      %swap3A_270 = arith.constant 32 : index
      %swap3A_271 = tpu.vector_load %arg15[%swap3A_269, %swap3A_270] {strides = array<i32>} : memref<128x128xf32, #tpu.memory_space<vmem>>, vector<16xf32>,
      tpu.vector_store %arg15[%swap3A_269, %swap3A_270], %broadcast_in_dim3A_24 {strides = array<i32>} : memref<128x128xf32, #tpu.memory_space<vmem>>, vector<16xf32>,
      %swap3A_272 = arith.index_cast %scan3A_262 : i32 to index
      %swap3A_273 = arith.constant 48 : index
      %swap3A_274 = tpu.vector_load %arg15[%swap3A_272, %swap3A_273] {strides = array<i32>} : memref<128x128xf32, #tpu.memory_space<vmem>>, vector<16xf32>,
      tpu.vector_store %arg15[%swap3A_272, %swap3A_273], %broadcast_in_dim3A_24 {strides = array<i32>} : memref<128x128xf32, #tpu.memory_space<vmem>>, vector<16xf32>,
      %swap3A_275 = arith.index_cast %scan3A_262 : i32 to index
      %swap3A_276 = arith.constant 64 : index
      %swap3A_277 = tpu.vector_load %arg15[%swap3A_275, %swap3A_276] {strides = array<i32>} : memref<128x128xf32, #tpu.memory_space<vmem>>, vector<16xf32>,
      tpu.vector_store %arg15[%swap3A_275, %swap3A_276], %broadcast_in_dim3A_24 {strides = array<i32>} : memref<128x128xf32, #tpu.memory_space<vmem>>, vector<16xf32>,
      %swap3A_278 = arith.index_cast %scan3A_262 : i32 to index
      %swap3A_279 = arith.constant 80 : index
      %swap3A_280 = tpu.vector_load %arg15[%swap3A_278, %swap3A_279] {strides = array<i32>} : memref<128x128xf32, #tpu.memory_space<vmem>>, vector<16xf32>,
      tpu.vector_store %arg15[%swap3A_278, %swap3A_279], %broadcast_in_dim3A_24 {strides = array<i32>} : memref<128x128xf32, #tpu.memory_space<vmem>>, vector<16xf32>,
      %swap3A_281 = arith.index_cast %scan3A_262 : i32 to index
      %swap3A_282 = arith.constant 96 : index
      %swap3A_283 = tpu.vector_load %arg15[%swap3A_281, %swap3A_282] {strides = array<i32>} : memref<128x128xf32, #tpu.memory_space<vmem>>, vector<16xf32>,
      tpu.vector_store %arg15[%swap3A_281, %swap3A_282], %broadcast_in_dim3A_24 {strides = array<i32>} : memref<128x128xf32, #tpu.memory_space<vmem>>, vector<16xf32>,
      %swap3A_284 = arith.index_cast %scan3A_262 : i32 to index
      %swap3A_285 = arith.constant 112 : index
      %swap3A_286 = tpu.vector_load %arg15[%swap3A_284, %swap3A_285] {strides = array<i32>} : memref<128x128xf32, #tpu.memory_space<vmem>>, vector<16xf32>,
      tpu.vector_store %arg15[%swap3A_284, %swap3A_285], %broadcast_in_dim3A_24 {strides = array<i32>} : memref<128x128xf32, #tpu.memory_space<vmem>>, vector<16xf32>,
      %scan3A_287 = arith.constant 0 : i32
      scf.yield %scan3A_287 : i32
    }
    %scan3A_40 = arith.constant 128 : i32
    %dma_wait3A = arith.constant 0 : i32
    %dma_wait3A_41 = arith.constant 0 : i32
    %dma_wait3A_42 = tpu.memref_slice %arg2[%add3A, %dma_wait3A, %dma_wait3A_41] : memref<32x4x128xi32, #tpu.memory_space<hbm>> -> memref<1x4x128xi32, #tpu.memory_space<hbm>>
    %dma_wait3A_43 = tpu.memref_squeeze %dma_wait3A_42 : memref<1x4x128xi32, #tpu.memory_space<hbm>> -> memref<4x128xi32, #tpu.memory_space<hbm>>
    %dma_wait3A_44 = arith.constant 0 : i32
    %dma_wait3A_45 = arith.constant 0 : i32
    %dma_wait3A_46 = tpu.memref_slice %arg2[%add3A, %dma_wait3A_44, %dma_wait3A_45] : memref<32x4x128xi32, #tpu.memory_space<hbm>> -> memref<1x4x128xi32, #tpu.memory_space<hbm>>
    %dma_wait3A_47 = tpu.memref_squeeze %dma_wait3A_46 : memref<1x4x128xi32, #tpu.memory_space<hbm>> -> memref<4x128xi32, #tpu.memory_space<hbm>>
    tpu.wait_dma2 semaphore(%arg17 : memref<!tpu.dma_semaphore, #tpu.memory_space<semaphore_mem>>) src(%dma_wait3A_47 : memref<4x128xi32, #tpu.memory_space<hbm>>) dst(%arg8 : memref<4x128xi32, #tpu.memory_space<vmem>>)
    %dma_wait3A_48 = arith.constant 0 : i32
    %dma_wait3A_49 = arith.constant 0 : i32
    %dma_wait3A_50 = tpu.memref_slice %arg3[%add3A, %dma_wait3A_48, %dma_wait3A_49] : memref<32x4x128xi32, #tpu.memory_space<hbm>> -> memref<1x4x128xi32, #tpu.memory_space<hbm>>
    %dma_wait3A_51 = tpu.memref_squeeze %dma_wait3A_50 : memref<1x4x128xi32, #tpu.memory_space<hbm>> -> memref<4x128xi32, #tpu.memory_space<hbm>>
    %dma_wait3A_52 = arith.constant 0 : i32
    %dma_wait3A_53 = arith.constant 0 : i32
    %dma_wait3A_54 = tpu.memref_slice %arg3[%add3A, %dma_wait3A_52, %dma_wait3A_53] : memref<32x4x128xi32, #tpu.memory_space<hbm>> -> memref<1x4x128xi32, #tpu.memory_space<hbm>>
    %dma_wait3A_55 = tpu.memref_squeeze %dma_wait3A_54 : memref<1x4x128xi32, #tpu.memory_space<hbm>> -> memref<4x128xi32, #tpu.memory_space<hbm>>
    tpu.wait_dma2 semaphore(%arg17 : memref<!tpu.dma_semaphore, #tpu.memory_space<semaphore_mem>>) src(%dma_wait3A_55 : memref<4x128xi32, #tpu.memory_space<hbm>>) dst(%arg9 : memref<4x128xi32, #tpu.memory_space<vmem>>)
    %dma_wait3A_56 = arith.constant 0 : i32
    %dma_wait3A_57 = arith.constant 0 : i32
    %dma_wait3A_58 = tpu.memref_slice %arg4[%add3A, %dma_wait3A_56, %dma_wait3A_57] : memref<32x4x128xi32, #tpu.memory_space<hbm>> -> memref<1x4x128xi32, #tpu.memory_space<hbm>>
    %dma_wait3A_59 = tpu.memref_squeeze %dma_wait3A_58 : memref<1x4x128xi32, #tpu.memory_space<hbm>> -> memref<4x128xi32, #tpu.memory_space<hbm>>
    %dma_wait3A_60 = arith.constant 0 : i32
    %dma_wait3A_61 = arith.constant 0 : i32
    %dma_wait3A_62 = tpu.memref_slice %arg4[%add3A, %dma_wait3A_60, %dma_wait3A_61] : memref<32x4x128xi32, #tpu.memory_space<hbm>> -> memref<1x4x128xi32, #tpu.memory_space<hbm>>
    %dma_wait3A_63 = tpu.memref_squeeze %dma_wait3A_62 : memref<1x4x128xi32, #tpu.memory_space<hbm>> -> memref<4x128xi32, #tpu.memory_space<hbm>>
    tpu.wait_dma2 semaphore(%arg17 : memref<!tpu.dma_semaphore, #tpu.memory_space<semaphore_mem>>) src(%dma_wait3A_63 : memref<4x128xi32, #tpu.memory_space<hbm>>) dst(%arg10 : memref<4x128xi32, #tpu.memory_space<vmem>>)
    %dma_start3A_64 = arith.constant 0 : i32
    %dma_start3A_65 = arith.constant 0 : i32
    %dma_start3A_66 = tpu.memref_slice %arg8[%dma_start3A_64, %dma_start3A_65] : memref<4x128xi32, #tpu.memory_space<vmem>> -> memref<1x128xi32, #tpu.memory_space<vmem>>
    %dma_start3A_67 = tpu.memref_squeeze %dma_start3A_66 : memref<1x128xi32, #tpu.memory_space<vmem>> -> memref<128xi32, #tpu.memory_space<vmem>>
    %dma_start3A_68 = arith.constant 0 : i32
    %dma_start3A_69 = arith.constant 0 : i32
    %dma_start3A_70 = tpu.memref_slice %arg5[%dma_start3A_68, %dma_start3A_69] : memref<100000x128xf32, #tpu.memory_space<hbm>> -> memref<100000x128xf32, #tpu.memory_space<hbm>>
    tpu.enqueue_indirect_dma source(%dma_start3A_70 : memref<100000x128xf32, #tpu.memory_space<hbm>>) target(%arg13 : memref<128x128xf32, #tpu.memory_space<vmem>>) offsets(%dma_start3A_67 : memref<128xi32, #tpu.memory_space<vmem>>) semaphore(%arg17 : memref<!tpu.dma_semaphore, #tpu.memory_space<semaphore_mem>>) {add = true}
    %dma_start3A_71 = arith.constant 0 : i32
    %dma_start3A_72 = arith.constant 0 : i32
    %dma_start3A_73 = tpu.memref_slice %arg9[%dma_start3A_71, %dma_start3A_72] : memref<4x128xi32, #tpu.memory_space<vmem>> -> memref<1x128xi32, #tpu.memory_space<vmem>>
    %dma_start3A_74 = tpu.memref_squeeze %dma_start3A_73 : memref<1x128xi32, #tpu.memory_space<vmem>> -> memref<128xi32, #tpu.memory_space<vmem>>
    %dma_start3A_75 = arith.constant 0 : i32
    %dma_start3A_76 = arith.constant 0 : i32
    %dma_start3A_77 = tpu.memref_slice %arg6[%dma_start3A_75, %dma_start3A_76] : memref<100000x128xf32, #tpu.memory_space<hbm>> -> memref<100000x128xf32, #tpu.memory_space<hbm>>
    tpu.enqueue_indirect_dma source(%dma_start3A_77 : memref<100000x128xf32, #tpu.memory_space<hbm>>) target(%arg13 : memref<128x128xf32, #tpu.memory_space<vmem>>) offsets(%dma_start3A_74 : memref<128xi32, #tpu.memory_space<vmem>>) semaphore(%arg17 : memref<!tpu.dma_semaphore, #tpu.memory_space<semaphore_mem>>) {add = true}
    %dma_start3A_78 = arith.constant 0 : i32
    %dma_start3A_79 = arith.constant 0 : i32
    %dma_start3A_80 = tpu.memref_slice %arg10[%dma_start3A_78, %dma_start3A_79] : memref<4x128xi32, #tpu.memory_space<vmem>> -> memref<1x128xi32, #tpu.memory_space<vmem>>
    %dma_start3A_81 = tpu.memref_squeeze %dma_start3A_80 : memref<1x128xi32, #tpu.memory_space<vmem>> -> memref<128xi32, #tpu.memory_space<vmem>>
    %dma_start3A_82 = arith.constant 0 : i32
    %dma_start3A_83 = arith.constant 0 : i32
    %dma_start3A_84 = tpu.memref_slice %arg5[%dma_start3A_82, %dma_start3A_83] : memref<100000x128xf32, #tpu.memory_space<hbm>> -> memref<100000x128xf32, #tpu.memory_space<hbm>>
    tpu.enqueue_indirect_dma source(%dma_start3A_84 : memref<100000x128xf32, #tpu.memory_space<hbm>>) target(%arg14 : memref<128x128xf32, #tpu.memory_space<vmem>>) offsets(%dma_start3A_81 : memref<128xi32, #tpu.memory_space<vmem>>) semaphore(%arg17 : memref<!tpu.dma_semaphore, #tpu.memory_space<semaphore_mem>>)
    %dma_start3A_85 = arith.constant 1 : i32
    %dma_start3A_86 = arith.constant 0 : i32
    %dma_start3A_87 = tpu.memref_slice %arg8[%dma_start3A_85, %dma_start3A_86] : memref<4x128xi32, #tpu.memory_space<vmem>> -> memref<1x128xi32, #tpu.memory_space<vmem>>
    %dma_start3A_88 = tpu.memref_squeeze %dma_start3A_87 : memref<1x128xi32, #tpu.memory_space<vmem>> -> memref<128xi32, #tpu.memory_space<vmem>>
    %dma_start3A_89 = arith.constant 0 : i32
    %dma_start3A_90 = arith.constant 0 : i32
    %dma_start3A_91 = tpu.memref_slice %arg5[%dma_start3A_89, %dma_start3A_90] : memref<100000x128xf32, #tpu.memory_space<hbm>> -> memref<100000x128xf32, #tpu.memory_space<hbm>>
    tpu.enqueue_indirect_dma source(%dma_start3A_91 : memref<100000x128xf32, #tpu.memory_space<hbm>>) target(%arg15 : memref<128x128xf32, #tpu.memory_space<vmem>>) offsets(%dma_start3A_88 : memref<128xi32, #tpu.memory_space<vmem>>) semaphore(%arg18 : memref<!tpu.dma_semaphore, #tpu.memory_space<semaphore_mem>>) {add = true}
    %dma_start3A_92 = arith.constant 1 : i32
    %dma_start3A_93 = arith.constant 0 : i32
    %dma_start3A_94 = tpu.memref_slice %arg9[%dma_start3A_92, %dma_start3A_93] : memref<4x128xi32, #tpu.memory_space<vmem>> -> memref<1x128xi32, #tpu.memory_space<vmem>>
    %dma_start3A_95 = tpu.memref_squeeze %dma_start3A_94 : memref<1x128xi32, #tpu.memory_space<vmem>> -> memref<128xi32, #tpu.memory_space<vmem>>
    %dma_start3A_96 = arith.constant 0 : i32
    %dma_start3A_97 = arith.constant 0 : i32
    %dma_start3A_98 = tpu.memref_slice %arg6[%dma_start3A_96, %dma_start3A_97] : memref<100000x128xf32, #tpu.memory_space<hbm>> -> memref<100000x128xf32, #tpu.memory_space<hbm>>
    tpu.enqueue_indirect_dma source(%dma_start3A_98 : memref<100000x128xf32, #tpu.memory_space<hbm>>) target(%arg15 : memref<128x128xf32, #tpu.memory_space<vmem>>) offsets(%dma_start3A_95 : memref<128xi32, #tpu.memory_space<vmem>>) semaphore(%arg18 : memref<!tpu.dma_semaphore, #tpu.memory_space<semaphore_mem>>) {add = true}
    %dma_start3A_99 = arith.constant 1 : i32
    %dma_start3A_100 = arith.constant 0 : i32
    %dma_start3A_101 = tpu.memref_slice %arg10[%dma_start3A_99, %dma_start3A_100] : memref<4x128xi32, #tpu.memory_space<vmem>> -> memref<1x128xi32, #tpu.memory_space<vmem>>
    %dma_start3A_102 = tpu.memref_squeeze %dma_start3A_101 : memref<1x128xi32, #tpu.memory_space<vmem>> -> memref<128xi32, #tpu.memory_space<vmem>>
    %dma_start3A_103 = arith.constant 0 : i32
    %dma_start3A_104 = arith.constant 0 : i32
    %dma_start3A_105 = tpu.memref_slice %arg5[%dma_start3A_103, %dma_start3A_104] : memref<100000x128xf32, #tpu.memory_space<hbm>> -> memref<100000x128xf32, #tpu.memory_space<hbm>>
    tpu.enqueue_indirect_dma source(%dma_start3A_105 : memref<100000x128xf32, #tpu.memory_space<hbm>>) target(%arg16 : memref<128x128xf32, #tpu.memory_space<vmem>>) offsets(%dma_start3A_102 : memref<128xi32, #tpu.memory_space<vmem>>) semaphore(%arg18 : memref<!tpu.dma_semaphore, #tpu.memory_space<semaphore_mem>>)
    %dma_wait3A_106 = arith.constant 0 : i32
    %dma_wait3A_107 = arith.constant 0 : i32
    %dma_wait3A_108 = tpu.memref_slice %arg8[%dma_wait3A_106, %dma_wait3A_107] : memref<4x128xi32, #tpu.memory_space<vmem>> -> memref<1x128xi32, #tpu.memory_space<vmem>>
    %dma_wait3A_109 = tpu.memref_squeeze %dma_wait3A_108 : memref<1x128xi32, #tpu.memory_space<vmem>> -> memref<128xi32, #tpu.memory_space<vmem>>
    %dma_wait3A_110 = arith.constant 0 : i32
    %dma_wait3A_111 = arith.constant 0 : i32
    %dma_wait3A_112 = tpu.memref_slice %arg5[%dma_wait3A_110, %dma_wait3A_111] : memref<100000x128xf32, #tpu.memory_space<hbm>> -> memref<100000x128xf32, #tpu.memory_space<hbm>>
    tpu.wait_indirect_dma semaphore(%arg17 : memref<!tpu.dma_semaphore, #tpu.memory_space<semaphore_mem>>) src(%dma_wait3A_112 : memref<100000x128xf32, #tpu.memory_space<hbm>>) dst(%arg13 : memref<128x128xf32, #tpu.memory_space<vmem>>)
    %dma_wait3A_113 = arith.constant 0 : i32
    %dma_wait3A_114 = arith.constant 0 : i32
    %dma_wait3A_115 = tpu.memref_slice %arg9[%dma_wait3A_113, %dma_wait3A_114] : memref<4x128xi32, #tpu.memory_space<vmem>> -> memref<1x128xi32, #tpu.memory_space<vmem>>
    %dma_wait3A_116 = tpu.memref_squeeze %dma_wait3A_115 : memref<1x128xi32, #tpu.memory_space<vmem>> -> memref<128xi32, #tpu.memory_space<vmem>>
    %dma_wait3A_117 = arith.constant 0 : i32
    %dma_wait3A_118 = arith.constant 0 : i32
    %dma_wait3A_119 = tpu.memref_slice %arg6[%dma_wait3A_117, %dma_wait3A_118] : memref<100000x128xf32, #tpu.memory_space<hbm>> -> memref<100000x128xf32, #tpu.memory_space<hbm>>
    tpu.wait_indirect_dma semaphore(%arg17 : memref<!tpu.dma_semaphore, #tpu.memory_space<semaphore_mem>>) src(%dma_wait3A_119 : memref<100000x128xf32, #tpu.memory_space<hbm>>) dst(%arg13 : memref<128x128xf32, #tpu.memory_space<vmem>>)
    %dma_wait3A_120 = arith.constant 0 : i32
    %dma_wait3A_121 = arith.constant 0 : i32
    %dma_wait3A_122 = tpu.memref_slice %arg10[%dma_wait3A_120, %dma_wait3A_121] : memref<4x128xi32, #tpu.memory_space<vmem>> -> memref<1x128xi32, #tpu.memory_space<vmem>>
    %dma_wait3A_123 = tpu.memref_squeeze %dma_wait3A_122 : memref<1x128xi32, #tpu.memory_space<vmem>> -> memref<128xi32, #tpu.memory_space<vmem>>
    %dma_wait3A_124 = arith.constant 0 : i32
    %dma_wait3A_125 = arith.constant 0 : i32
    %dma_wait3A_126 = tpu.memref_slice %arg5[%dma_wait3A_124, %dma_wait3A_125] : memref<100000x128xf32, #tpu.memory_space<hbm>> -> memref<100000x128xf32, #tpu.memory_space<hbm>>
    tpu.wait_indirect_dma semaphore(%arg17 : memref<!tpu.dma_semaphore, #tpu.memory_space<semaphore_mem>>) src(%dma_wait3A_126 : memref<100000x128xf32, #tpu.memory_space<hbm>>) dst(%arg14 : memref<128x128xf32, #tpu.memory_space<vmem>>)
    %scan3A_127 = arith.constant 0 : i32
    %scan3A_128 = arith.constant 0 : i32
    %scan3A_129 = arith.constant 8 : i32
    %scan3A_130 = arith.addi %scan3A_128, %scan3A_129 : i32
    %scan3A_131 = arith.constant 1 : i32
    %scan3A_132 = scf.for %scan3A_262 = %scan3A_128 to %scan3A_130 step %scan3A_131 iter_args(%scan3A_263 = %scan3A_127) -> (i32)  : i32 {
      %scan3A_264 = arith.constant 0 : i32
      %scan3A_265 = arith.constant 0 : i32
      %scan3A_266 = arith.constant 16 : i32
      %scan3A_267 = arith.addi %scan3A_265, %scan3A_266 : i32
      %scan3A_268 = arith.constant 1 : i32
      %scan3A_269 = scf.for %scan3A_328 = %scan3A_265 to %scan3A_267 step %scan3A_268 iter_args(%scan3A_329 = %scan3A_264) -> (i32)  : i32 {
        %mul3A_330 = arith.constant 16 : i32
        %mul3A_331 = arith.muli %scan3A_262, %mul3A_330 : i32
        %add3A_332 = arith.addi %mul3A_331, %scan3A_328 : i32
        %broadcast_in_dim3A_333 = arith.constant 0.000000e+00 : f32
        %broadcast_in_dim3A_334 = vector.broadcast %broadcast_in_dim3A_333 : f32 to vector<16xf32>
        %broadcast_in_dim3A_335 = arith.constant 0.000000e+00 : f32
        %broadcast_in_dim3A_336 = vector.broadcast %broadcast_in_dim3A_335 : f32 to vector<16xf32>
        %get3A_337 = arith.index_cast %add3A_332 : i32 to index
        %get3A_338 = arith.constant 0 : index
        %get3A_339 = tpu.vector_load %arg13[%get3A_337, %get3A_338] {strides = array<i32>} : memref<128x128xf32, #tpu.memory_space<vmem>>, vector<16xf32>,
        %get3A_340 = arith.index_cast %add3A_332 : i32 to index
        %get3A_341 = arith.constant 0 : index
        %get3A_342 = tpu.vector_load %arg14[%get3A_340, %get3A_341] {strides = array<i32>} : memref<128x128xf32, #tpu.memory_space<vmem>>, vector<16xf32>,
        %sub3A_343 = arith.subf %get3A_339, %get3A_342 : vector<16xf32>
        %abs3A = math.absf %sub3A_343 : vector<16xf32>
        %add3A_344 = arith.addf %broadcast_in_dim3A_334, %abs3A : vector<16xf32>
        %get3A_345 = arith.index_cast %add3A_332 : i32 to index
        %get3A_346 = arith.constant 16 : index
        %get3A_347 = tpu.vector_load %arg13[%get3A_345, %get3A_346] {strides = array<i32>} : memref<128x128xf32, #tpu.memory_space<vmem>>, vector<16xf32>,
        %get3A_348 = arith.index_cast %add3A_332 : i32 to index
        %get3A_349 = arith.constant 16 : index
        %get3A_350 = tpu.vector_load %arg14[%get3A_348, %get3A_349] {strides = array<i32>} : memref<128x128xf32, #tpu.memory_space<vmem>>, vector<16xf32>,
        %sub3A_351 = arith.subf %get3A_347, %get3A_350 : vector<16xf32>
        %abs3A_352 = math.absf %sub3A_351 : vector<16xf32>
        %add3A_353 = arith.addf %broadcast_in_dim3A_336, %abs3A_352 : vector<16xf32>
        %get3A_354 = arith.index_cast %add3A_332 : i32 to index
        %get3A_355 = arith.constant 32 : index
        %get3A_356 = tpu.vector_load %arg13[%get3A_354, %get3A_355] {strides = array<i32>} : memref<128x128xf32, #tpu.memory_space<vmem>>, vector<16xf32>,
        %get3A_357 = arith.index_cast %add3A_332 : i32 to index
        %get3A_358 = arith.constant 32 : index
        %get3A_359 = tpu.vector_load %arg14[%get3A_357, %get3A_358] {strides = array<i32>} : memref<128x128xf32, #tpu.memory_space<vmem>>, vector<16xf32>,
        %sub3A_360 = arith.subf %get3A_356, %get3A_359 : vector<16xf32>
        %abs3A_361 = math.absf %sub3A_360 : vector<16xf32>
        %add3A_362 = arith.addf %add3A_344, %abs3A_361 : vector<16xf32>
        %get3A_363 = arith.index_cast %add3A_332 : i32 to index
        %get3A_364 = arith.constant 48 : index
        %get3A_365 = tpu.vector_load %arg13[%get3A_363, %get3A_364] {strides = array<i32>} : memref<128x128xf32, #tpu.memory_space<vmem>>, vector<16xf32>,
        %get3A_366 = arith.index_cast %add3A_332 : i32 to index
        %get3A_367 = arith.constant 48 : index
        %get3A_368 = tpu.vector_load %arg14[%get3A_366, %get3A_367] {strides = array<i32>} : memref<128x128xf32, #tpu.memory_space<vmem>>, vector<16xf32>,
        %sub3A_369 = arith.subf %get3A_365, %get3A_368 : vector<16xf32>
        %abs3A_370 = math.absf %sub3A_369 : vector<16xf32>
        %add3A_371 = arith.addf %add3A_353, %abs3A_370 : vector<16xf32>
        %get3A_372 = arith.index_cast %add3A_332 : i32 to index
        %get3A_373 = arith.constant 64 : index
        %get3A_374 = tpu.vector_load %arg13[%get3A_372, %get3A_373] {strides = array<i32>} : memref<128x128xf32, #tpu.memory_space<vmem>>, vector<16xf32>,
        %get3A_375 = arith.index_cast %add3A_332 : i32 to index
        %get3A_376 = arith.constant 64 : index
        %get3A_377 = tpu.vector_load %arg14[%get3A_375, %get3A_376] {strides = array<i32>} : memref<128x128xf32, #tpu.memory_space<vmem>>, vector<16xf32>,
        %sub3A_378 = arith.subf %get3A_374, %get3A_377 : vector<16xf32>
        %abs3A_379 = math.absf %sub3A_378 : vector<16xf32>
        %add3A_380 = arith.addf %add3A_362, %abs3A_379 : vector<16xf32>
        %get3A_381 = arith.index_cast %add3A_332 : i32 to index
        %get3A_382 = arith.constant 80 : index
        %get3A_383 = tpu.vector_load %arg13[%get3A_381, %get3A_382] {strides = array<i32>} : memref<128x128xf32, #tpu.memory_space<vmem>>, vector<16xf32>,
        %get3A_384 = arith.index_cast %add3A_332 : i32 to index
        %get3A_385 = arith.constant 80 : index
        %get3A_386 = tpu.vector_load %arg14[%get3A_384, %get3A_385] {strides = array<i32>} : memref<128x128xf32, #tpu.memory_space<vmem>>, vector<16xf32>,
        %sub3A_387 = arith.subf %get3A_383, %get3A_386 : vector<16xf32>
        %abs3A_388 = math.absf %sub3A_387 : vector<16xf32>
        %add3A_389 = arith.addf %add3A_371, %abs3A_388 : vector<16xf32>
        %get3A_390 = arith.index_cast %add3A_332 : i32 to index
        %get3A_391 = arith.constant 96 : index
        %get3A_392 = tpu.vector_load %arg13[%get3A_390, %get3A_391] {strides = array<i32>} : memref<128x128xf32, #tpu.memory_space<vmem>>, vector<16xf32>,
        %get3A_393 = arith.index_cast %add3A_332 : i32 to index
        %get3A_394 = arith.constant 96 : index
        %get3A_395 = tpu.vector_load %arg14[%get3A_393, %get3A_394] {strides = array<i32>} : memref<128x128xf32, #tpu.memory_space<vmem>>, vector<16xf32>,
        %sub3A_396 = arith.subf %get3A_392, %get3A_395 : vector<16xf32>
        %abs3A_397 = math.absf %sub3A_396 : vector<16xf32>
        %add3A_398 = arith.addf %add3A_380, %abs3A_397 : vector<16xf32>
        %get3A_399 = arith.index_cast %add3A_332 : i32 to index
        %get3A_400 = arith.constant 112 : index
        %get3A_401 = tpu.vector_load %arg13[%get3A_399, %get3A_400] {strides = array<i32>} : memref<128x128xf32, #tpu.memory_space<vmem>>, vector<16xf32>,
        %get3A_402 = arith.index_cast %add3A_332 : i32 to index
        %get3A_403 = arith.constant 112 : index
        %get3A_404 = tpu.vector_load %arg14[%get3A_402, %get3A_403] {strides = array<i32>} : memref<128x128xf32, #tpu.memory_space<vmem>>, vector<16xf32>,
        %sub3A_405 = arith.subf %get3A_401, %get3A_404 : vector<16xf32>
        %abs3A_406 = math.absf %sub3A_405 : vector<16xf32>
        %add3A_407 = arith.addf %add3A_389, %abs3A_406 : vector<16xf32>
        %swap3A_408 = arith.index_cast %add3A_332 : i32 to index
        %swap3A_409 = arith.constant 0 : index
        %swap3A_410 = tpu.vector_load %arg13[%swap3A_408, %swap3A_409] {strides = array<i32>} : memref<128x128xf32, #tpu.memory_space<vmem>>, vector<16xf32>,
        tpu.vector_store %arg13[%swap3A_408, %swap3A_409], %broadcast_in_dim3A_24 {strides = array<i32>} : memref<128x128xf32, #tpu.memory_space<vmem>>, vector<16xf32>,
        %swap3A_411 = arith.index_cast %add3A_332 : i32 to index
        %swap3A_412 = arith.constant 16 : index
        %swap3A_413 = tpu.vector_load %arg13[%swap3A_411, %swap3A_412] {strides = array<i32>} : memref<128x128xf32, #tpu.memory_space<vmem>>, vector<16xf32>,
        tpu.vector_store %arg13[%swap3A_411, %swap3A_412], %broadcast_in_dim3A_24 {strides = array<i32>} : memref<128x128xf32, #tpu.memory_space<vmem>>, vector<16xf32>,
        %swap3A_414 = arith.index_cast %add3A_332 : i32 to index
        %swap3A_415 = arith.constant 32 : index
        %swap3A_416 = tpu.vector_load %arg13[%swap3A_414, %swap3A_415] {strides = array<i32>} : memref<128x128xf32, #tpu.memory_space<vmem>>, vector<16xf32>,
        tpu.vector_store %arg13[%swap3A_414, %swap3A_415], %broadcast_in_dim3A_24 {strides = array<i32>} : memref<128x128xf32, #tpu.memory_space<vmem>>, vector<16xf32>,
        %swap3A_417 = arith.index_cast %add3A_332 : i32 to index
        %swap3A_418 = arith.constant 48 : index
        %swap3A_419 = tpu.vector_load %arg13[%swap3A_417, %swap3A_418] {strides = array<i32>} : memref<128x128xf32, #tpu.memory_space<vmem>>, vector<16xf32>,
        tpu.vector_store %arg13[%swap3A_417, %swap3A_418], %broadcast_in_dim3A_24 {strides = array<i32>} : memref<128x128xf32, #tpu.memory_space<vmem>>, vector<16xf32>,
        %swap3A_420 = arith.index_cast %add3A_332 : i32 to index
        %swap3A_421 = arith.constant 64 : index
        %swap3A_422 = tpu.vector_load %arg13[%swap3A_420, %swap3A_421] {strides = array<i32>} : memref<128x128xf32, #tpu.memory_space<vmem>>, vector<16xf32>,
        tpu.vector_store %arg13[%swap3A_420, %swap3A_421], %broadcast_in_dim3A_24 {strides = array<i32>} : memref<128x128xf32, #tpu.memory_space<vmem>>, vector<16xf32>,
        %swap3A_423 = arith.index_cast %add3A_332 : i32 to index
        %swap3A_424 = arith.constant 80 : index
        %swap3A_425 = tpu.vector_load %arg13[%swap3A_423, %swap3A_424] {strides = array<i32>} : memref<128x128xf32, #tpu.memory_space<vmem>>, vector<16xf32>,
        tpu.vector_store %arg13[%swap3A_423, %swap3A_424], %broadcast_in_dim3A_24 {strides = array<i32>} : memref<128x128xf32, #tpu.memory_space<vmem>>, vector<16xf32>,
        %swap3A_426 = arith.index_cast %add3A_332 : i32 to index
        %swap3A_427 = arith.constant 96 : index
        %swap3A_428 = tpu.vector_load %arg13[%swap3A_426, %swap3A_427] {strides = array<i32>} : memref<128x128xf32, #tpu.memory_space<vmem>>, vector<16xf32>,
        tpu.vector_store %arg13[%swap3A_426, %swap3A_427], %broadcast_in_dim3A_24 {strides = array<i32>} : memref<128x128xf32, #tpu.memory_space<vmem>>, vector<16xf32>,
        %swap3A_429 = arith.index_cast %add3A_332 : i32 to index
        %swap3A_430 = arith.constant 112 : index
        %swap3A_431 = tpu.vector_load %arg13[%swap3A_429, %swap3A_430] {strides = array<i32>} : memref<128x128xf32, #tpu.memory_space<vmem>>, vector<16xf32>,
        tpu.vector_store %arg13[%swap3A_429, %swap3A_430], %broadcast_in_dim3A_24 {strides = array<i32>} : memref<128x128xf32, #tpu.memory_space<vmem>>, vector<16xf32>,
        %add3A_432 = vector.broadcast %scan3A_328 : i32 to vector<16xi32>
        %add3A_433 = arith.addi %mul3A_27, %add3A_432 : vector<16xi32>
        %add3A_434 = arith.addf %add3A_398, %add3A_407 : vector<16xf32>
        tpu.vector_store_idx %arg12[%add3A_433], %add3A_434 : memref<272xf32, #tpu.memory_space<vmem>>[vector<16xi32>], vector<16xf32>,
        %scan3A_435 = arith.constant 0 : i32
        scf.yield %scan3A_435 : i32
      }
      %scan3A_270 = arith.constant 16 : i32
      %broadcast_in_dim3A_271 = arith.constant 0.000000e+00 : f32
      %broadcast_in_dim3A_272 = vector.broadcast %broadcast_in_dim3A_271 : f32 to vector<16xf32>
      %get3A = arith.constant 0 : index
      %get3A_273 = tpu.vector_load %arg12[%get3A] {strides = array<i32>} : memref<272xf32, #tpu.memory_space<vmem>>, vector<16xf32>,
      %add3A_274 = arith.addf %broadcast_in_dim3A_272, %get3A_273 : vector<16xf32>
      %get3A_275 = arith.constant 17 : index
      %get3A_276 = tpu.vector_load %arg12[%get3A_275] {strides = array<i32>} : memref<272xf32, #tpu.memory_space<vmem>>, vector<16xf32>,
      %add3A_277 = arith.addf %add3A_274, %get3A_276 : vector<16xf32>
      %get3A_278 = arith.constant 34 : index
      %get3A_279 = tpu.vector_load %arg12[%get3A_278] {strides = array<i32>} : memref<272xf32, #tpu.memory_space<vmem>>, vector<16xf32>,
      %add3A_280 = arith.addf %add3A_277, %get3A_279 : vector<16xf32>
      %get3A_281 = arith.constant 51 : index
      %get3A_282 = tpu.vector_load %arg12[%get3A_281] {strides = array<i32>} : memref<272xf32, #tpu.memory_space<vmem>>, vector<16xf32>,
      %add3A_283 = arith.addf %add3A_280, %get3A_282 : vector<16xf32>
      %get3A_284 = arith.constant 68 : index
      %get3A_285 = tpu.vector_load %arg12[%get3A_284] {strides = array<i32>} : memref<272xf32, #tpu.memory_space<vmem>>, vector<16xf32>,
      %add3A_286 = arith.addf %add3A_283, %get3A_285 : vector<16xf32>
      %get3A_287 = arith.constant 85 : index
      %get3A_288 = tpu.vector_load %arg12[%get3A_287] {strides = array<i32>} : memref<272xf32, #tpu.memory_space<vmem>>, vector<16xf32>,
      %add3A_289 = arith.addf %add3A_286, %get3A_288 : vector<16xf32>
      %get3A_290 = arith.constant 102 : index
      %get3A_291 = tpu.vector_load %arg12[%get3A_290] {strides = array<i32>} : memref<272xf32, #tpu.memory_space<vmem>>, vector<16xf32>,
      %add3A_292 = arith.addf %add3A_289, %get3A_291 : vector<16xf32>
      %get3A_293 = arith.constant 119 : index
      %get3A_294 = tpu.vector_load %arg12[%get3A_293] {strides = array<i32>} : memref<272xf32, #tpu.memory_space<vmem>>, vector<16xf32>,
      %add3A_295 = arith.addf %add3A_292, %get3A_294 : vector<16xf32>
      %get3A_296 = arith.constant 136 : index
      %get3A_297 = tpu.vector_load %arg12[%get3A_296] {strides = array<i32>} : memref<272xf32, #tpu.memory_space<vmem>>, vector<16xf32>,
      %add3A_298 = arith.addf %add3A_295, %get3A_297 : vector<16xf32>
      %get3A_299 = arith.constant 153 : index
      %get3A_300 = tpu.vector_load %arg12[%get3A_299] {strides = array<i32>} : memref<272xf32, #tpu.memory_space<vmem>>, vector<16xf32>,
      %add3A_301 = arith.addf %add3A_298, %get3A_300 : vector<16xf32>
      %get3A_302 = arith.constant 170 : index
      %get3A_303 = tpu.vector_load %arg12[%get3A_302] {strides = array<i32>} : memref<272xf32, #tpu.memory_space<vmem>>, vector<16xf32>,
      %add3A_304 = arith.addf %add3A_301, %get3A_303 : vector<16xf32>
      %get3A_305 = arith.constant 187 : index
      %get3A_306 = tpu.vector_load %arg12[%get3A_305] {strides = array<i32>} : memref<272xf32, #tpu.memory_space<vmem>>, vector<16xf32>,
      %add3A_307 = arith.addf %add3A_304, %get3A_306 : vector<16xf32>
      %get3A_308 = arith.constant 204 : index
      %get3A_309 = tpu.vector_load %arg12[%get3A_308] {strides = array<i32>} : memref<272xf32, #tpu.memory_space<vmem>>, vector<16xf32>,
      %add3A_310 = arith.addf %add3A_307, %get3A_309 : vector<16xf32>
      %get3A_311 = arith.constant 221 : index
      %get3A_312 = tpu.vector_load %arg12[%get3A_311] {strides = array<i32>} : memref<272xf32, #tpu.memory_space<vmem>>, vector<16xf32>,
      %add3A_313 = arith.addf %add3A_310, %get3A_312 : vector<16xf32>
      %get3A_314 = arith.constant 238 : index
      %get3A_315 = tpu.vector_load %arg12[%get3A_314] {strides = array<i32>} : memref<272xf32, #tpu.memory_space<vmem>>, vector<16xf32>,
      %add3A_316 = arith.addf %add3A_313, %get3A_315 : vector<16xf32>
      %get3A_317 = arith.constant 255 : index
      %get3A_318 = tpu.vector_load %arg12[%get3A_317] {strides = array<i32>} : memref<272xf32, #tpu.memory_space<vmem>>, vector<16xf32>,
      %add3A_319 = arith.addf %add3A_316, %get3A_318 : vector<16xf32>
      %sub3A = arith.constant 1.200000e+01 : f32
      %sub3A_320 = vector.broadcast %sub3A : f32 to vector<16xf32>
      %sub3A_321 = arith.subf %sub3A_320, %add3A_319 : vector<16xf32>
      %mul3A_322 = arith.constant 16 : i32
      %mul3A_323 = arith.muli %scan3A_262, %mul3A_322 : i32
      %add3A_324 = arith.constant 0 : i32
      %add3A_325 = arith.addi %add3A_324, %mul3A_323 : i32
      %swap3A = arith.index_cast %add3A_325 : i32 to index
      %swap3A_326 = tpu.vector_load %arg11[%swap3A] {strides = array<i32>} : memref<512xf32, #tpu.memory_space<vmem>>, vector<16xf32>,
      tpu.vector_store %arg11[%swap3A], %sub3A_321 {strides = array<i32>} : memref<512xf32, #tpu.memory_space<vmem>>, vector<16xf32>,
      %scan3A_327 = arith.constant 0 : i32
      scf.yield %scan3A_327 : i32
    }
    %scan3A_133 = arith.constant 8 : i32
    %dma_start3A_134 = arith.constant 2 : i32
    %dma_start3A_135 = arith.constant 0 : i32
    %dma_start3A_136 = tpu.memref_slice %arg8[%dma_start3A_134, %dma_start3A_135] : memref<4x128xi32, #tpu.memory_space<vmem>> -> memref<1x128xi32, #tpu.memory_space<vmem>>
    %dma_start3A_137 = tpu.memref_squeeze %dma_start3A_136 : memref<1x128xi32, #tpu.memory_space<vmem>> -> memref<128xi32, #tpu.memory_space<vmem>>
    %dma_start3A_138 = arith.constant 0 : i32
    %dma_start3A_139 = arith.constant 0 : i32
    %dma_start3A_140 = tpu.memref_slice %arg5[%dma_start3A_138, %dma_start3A_139] : memref<100000x128xf32, #tpu.memory_space<hbm>> -> memref<100000x128xf32, #tpu.memory_space<hbm>>
    tpu.enqueue_indirect_dma source(%dma_start3A_140 : memref<100000x128xf32, #tpu.memory_space<hbm>>) target(%arg13 : memref<128x128xf32, #tpu.memory_space<vmem>>) offsets(%dma_start3A_137 : memref<128xi32, #tpu.memory_space<vmem>>) semaphore(%arg17 : memref<!tpu.dma_semaphore, #tpu.memory_space<semaphore_mem>>) {add = true}
    %dma_start3A_141 = arith.constant 2 : i32
    %dma_start3A_142 = arith.constant 0 : i32
    %dma_start3A_143 = tpu.memref_slice %arg9[%dma_start3A_141, %dma_start3A_142] : memref<4x128xi32, #tpu.memory_space<vmem>> -> memref<1x128xi32, #tpu.memory_space<vmem>>
    %dma_start3A_144 = tpu.memref_squeeze %dma_start3A_143 : memref<1x128xi32, #tpu.memory_space<vmem>> -> memref<128xi32, #tpu.memory_space<vmem>>
    %dma_start3A_145 = arith.constant 0 : i32
    %dma_start3A_146 = arith.constant 0 : i32
    %dma_start3A_147 = tpu.memref_slice %arg6[%dma_start3A_145, %dma_start3A_146] : memref<100000x128xf32, #tpu.memory_space<hbm>> -> memref<100000x128xf32, #tpu.memory_space<hbm>>
    tpu.enqueue_indirect_dma source(%dma_start3A_147 : memref<100000x128xf32, #tpu.memory_space<hbm>>) target(%arg13 : memref<128x128xf32, #tpu.memory_space<vmem>>) offsets(%dma_start3A_144 : memref<128xi32, #tpu.memory_space<vmem>>) semaphore(%arg17 : memref<!tpu.dma_semaphore, #tpu.memory_space<semaphore_mem>>) {add = true}
    %dma_start3A_148 = arith.constant 2 : i32
    %dma_start3A_149 = arith.constant 0 : i32
    %dma_start3A_150 = tpu.memref_slice %arg10[%dma_start3A_148, %dma_start3A_149] : memref<4x128xi32, #tpu.memory_space<vmem>> -> memref<1x128xi32, #tpu.memory_space<vmem>>
    %dma_start3A_151 = tpu.memref_squeeze %dma_start3A_150 : memref<1x128xi32, #tpu.memory_space<vmem>> -> memref<128xi32, #tpu.memory_space<vmem>>
    %dma_start3A_152 = arith.constant 0 : i32
    %dma_start3A_153 = arith.constant 0 : i32
    %dma_start3A_154 = tpu.memref_slice %arg5[%dma_start3A_152, %dma_start3A_153] : memref<100000x128xf32, #tpu.memory_space<hbm>> -> memref<100000x128xf32, #tpu.memory_space<hbm>>
    tpu.enqueue_indirect_dma source(%dma_start3A_154 : memref<100000x128xf32, #tpu.memory_space<hbm>>) target(%arg14 : memref<128x128xf32, #tpu.memory_space<vmem>>) offsets(%dma_start3A_151 : memref<128xi32, #tpu.memory_space<vmem>>) semaphore(%arg17 : memref<!tpu.dma_semaphore, #tpu.memory_space<semaphore_mem>>)
    %dma_wait3A_155 = arith.constant 1 : i32
    %dma_wait3A_156 = arith.constant 0 : i32
    %dma_wait3A_157 = tpu.memref_slice %arg8[%dma_wait3A_155, %dma_wait3A_156] : memref<4x128xi32, #tpu.memory_space<vmem>> -> memref<1x128xi32, #tpu.memory_space<vmem>>
    %dma_wait3A_158 = tpu.memref_squeeze %dma_wait3A_157 : memref<1x128xi32, #tpu.memory_space<vmem>> -> memref<128xi32, #tpu.memory_space<vmem>>
    %dma_wait3A_159 = arith.constant 0 : i32
    %dma_wait3A_160 = arith.constant 0 : i32
    %dma_wait3A_161 = tpu.memref_slice %arg5[%dma_wait3A_159, %dma_wait3A_160] : memref<100000x128xf32, #tpu.memory_space<hbm>> -> memref<100000x128xf32, #tpu.memory_space<hbm>>
    tpu.wait_indirect_dma semaphore(%arg18 : memref<!tpu.dma_semaphore, #tpu.memory_space<semaphore_mem>>) src(%dma_wait3A_161 : memref<100000x128xf32, #tpu.memory_space<hbm>>) dst(%arg15 : memref<128x128xf32, #tpu.memory_space<vmem>>)
    %dma_wait3A_162 = arith.constant 1 : i32
    %dma_wait3A_163 = arith.constant 0 : i32
    %dma_wait3A_164 = tpu.memref_slice %arg9[%dma_wait3A_162, %dma_wait3A_163] : memref<4x128xi32, #tpu.memory_space<vmem>> -> memref<1x128xi32, #tpu.memory_space<vmem>>
    %dma_wait3A_165 = tpu.memref_squeeze %dma_wait3A_164 : memref<1x128xi32, #tpu.memory_space<vmem>> -> memref<128xi32, #tpu.memory_space<vmem>>
    %dma_wait3A_166 = arith.constant 0 : i32
    %dma_wait3A_167 = arith.constant 0 : i32
    %dma_wait3A_168 = tpu.memref_slice %arg6[%dma_wait3A_166, %dma_wait3A_167] : memref<100000x128xf32, #tpu.memory_space<hbm>> -> memref<100000x128xf32, #tpu.memory_space<hbm>>
    tpu.wait_indirect_dma semaphore(%arg18 : memref<!tpu.dma_semaphore, #tpu.memory_space<semaphore_mem>>) src(%dma_wait3A_168 : memref<100000x128xf32, #tpu.memory_space<hbm>>) dst(%arg15 : memref<128x128xf32, #tpu.memory_space<vmem>>)
    %dma_wait3A_169 = arith.constant 1 : i32
    %dma_wait3A_170 = arith.constant 0 : i32
    %dma_wait3A_171 = tpu.memref_slice %arg10[%dma_wait3A_169, %dma_wait3A_170] : memref<4x128xi32, #tpu.memory_space<vmem>> -> memref<1x128xi32, #tpu.memory_space<vmem>>
    %dma_wait3A_172 = tpu.memref_squeeze %dma_wait3A_171 : memref<1x128xi32, #tpu.memory_space<vmem>> -> memref<128xi32, #tpu.memory_space<vmem>>
    %dma_wait3A_173 = arith.constant 0 : i32
    %dma_wait3A_174 = arith.constant 0 : i32
    %dma_wait3A_175 = tpu.memref_slice %arg5[%dma_wait3A_173, %dma_wait3A_174] : memref<100000x128xf32, #tpu.memory_space<hbm>> -> memref<100000x128xf32, #tpu.memory_space<hbm>>
    tpu.wait_indirect_dma semaphore(%arg18 : memref<!tpu.dma_semaphore, #tpu.memory_space<semaphore_mem>>) src(%dma_wait3A_175 : memref<100000x128xf32, #tpu.memory_space<hbm>>) dst(%arg16 : memref<128x128xf32, #tpu.memory_space<vmem>>)
    %scan3A_176 = arith.constant 0 : i32
    %scan3A_177 = arith.constant 0 : i32
    %scan3A_178 = arith.constant 8 : i32
    %scan3A_179 = arith.addi %scan3A_177, %scan3A_178 : i32
    %scan3A_180 = arith.constant 1 : i32
    %scan3A_181 = scf.for %scan3A_262 = %scan3A_177 to %scan3A_179 step %scan3A_180 iter_args(%scan3A_263 = %scan3A_176) -> (i32)  : i32 {
      %scan3A_264 = arith.constant 0 : i32
      %scan3A_265 = arith.constant 0 : i32
      %scan3A_266 = arith.constant 16 : i32
      %scan3A_267 = arith.addi %scan3A_265, %scan3A_266 : i32
      %scan3A_268 = arith.constant 1 : i32
      %scan3A_269 = scf.for %scan3A_328 = %scan3A_265 to %scan3A_267 step %scan3A_268 iter_args(%scan3A_329 = %scan3A_264) -> (i32)  : i32 {
        %mul3A_330 = arith.constant 16 : i32
        %mul3A_331 = arith.muli %scan3A_262, %mul3A_330 : i32
        %add3A_332 = arith.addi %mul3A_331, %scan3A_328 : i32
        %broadcast_in_dim3A_333 = arith.constant 0.000000e+00 : f32
        %broadcast_in_dim3A_334 = vector.broadcast %broadcast_in_dim3A_333 : f32 to vector<16xf32>
        %broadcast_in_dim3A_335 = arith.constant 0.000000e+00 : f32
        %broadcast_in_dim3A_336 = vector.broadcast %broadcast_in_dim3A_335 : f32 to vector<16xf32>
        %get3A_337 = arith.index_cast %add3A_332 : i32 to index
        %get3A_338 = arith.constant 0 : index
        %get3A_339 = tpu.vector_load %arg15[%get3A_337, %get3A_338] {strides = array<i32>} : memref<128x128xf32, #tpu.memory_space<vmem>>, vector<16xf32>,
        %get3A_340 = arith.index_cast %add3A_332 : i32 to index
        %get3A_341 = arith.constant 0 : index
        %get3A_342 = tpu.vector_load %arg16[%get3A_340, %get3A_341] {strides = array<i32>} : memref<128x128xf32, #tpu.memory_space<vmem>>, vector<16xf32>,
        %sub3A_343 = arith.subf %get3A_339, %get3A_342 : vector<16xf32>
        %abs3A = math.absf %sub3A_343 : vector<16xf32>
        %add3A_344 = arith.addf %broadcast_in_dim3A_334, %abs3A : vector<16xf32>
        %get3A_345 = arith.index_cast %add3A_332 : i32 to index
        %get3A_346 = arith.constant 16 : index
        %get3A_347 = tpu.vector_load %arg15[%get3A_345, %get3A_346] {strides = array<i32>} : memref<128x128xf32, #tpu.memory_space<vmem>>, vector<16xf32>,
        %get3A_348 = arith.index_cast %add3A_332 : i32 to index
        %get3A_349 = arith.constant 16 : index
        %get3A_350 = tpu.vector_load %arg16[%get3A_348, %get3A_349] {strides = array<i32>} : memref<128x128xf32, #tpu.memory_space<vmem>>, vector<16xf32>,
        %sub3A_351 = arith.subf %get3A_347, %get3A_350 : vector<16xf32>
        %abs3A_352 = math.absf %sub3A_351 : vector<16xf32>
        %add3A_353 = arith.addf %broadcast_in_dim3A_336, %abs3A_352 : vector<16xf32>
        %get3A_354 = arith.index_cast %add3A_332 : i32 to index
        %get3A_355 = arith.constant 32 : index
        %get3A_356 = tpu.vector_load %arg15[%get3A_354, %get3A_355] {strides = array<i32>} : memref<128x128xf32, #tpu.memory_space<vmem>>, vector<16xf32>,
        %get3A_357 = arith.index_cast %add3A_332 : i32 to index
        %get3A_358 = arith.constant 32 : index
        %get3A_359 = tpu.vector_load %arg16[%get3A_357, %get3A_358] {strides = array<i32>} : memref<128x128xf32, #tpu.memory_space<vmem>>, vector<16xf32>,
        %sub3A_360 = arith.subf %get3A_356, %get3A_359 : vector<16xf32>
        %abs3A_361 = math.absf %sub3A_360 : vector<16xf32>
        %add3A_362 = arith.addf %add3A_344, %abs3A_361 : vector<16xf32>
        %get3A_363 = arith.index_cast %add3A_332 : i32 to index
        %get3A_364 = arith.constant 48 : index
        %get3A_365 = tpu.vector_load %arg15[%get3A_363, %get3A_364] {strides = array<i32>} : memref<128x128xf32, #tpu.memory_space<vmem>>, vector<16xf32>,
        %get3A_366 = arith.index_cast %add3A_332 : i32 to index
        %get3A_367 = arith.constant 48 : index
        %get3A_368 = tpu.vector_load %arg16[%get3A_366, %get3A_367] {strides = array<i32>} : memref<128x128xf32, #tpu.memory_space<vmem>>, vector<16xf32>,
        %sub3A_369 = arith.subf %get3A_365, %get3A_368 : vector<16xf32>
        %abs3A_370 = math.absf %sub3A_369 : vector<16xf32>
        %add3A_371 = arith.addf %add3A_353, %abs3A_370 : vector<16xf32>
        %get3A_372 = arith.index_cast %add3A_332 : i32 to index
        %get3A_373 = arith.constant 64 : index
        %get3A_374 = tpu.vector_load %arg15[%get3A_372, %get3A_373] {strides = array<i32>} : memref<128x128xf32, #tpu.memory_space<vmem>>, vector<16xf32>,
        %get3A_375 = arith.index_cast %add3A_332 : i32 to index
        %get3A_376 = arith.constant 64 : index
        %get3A_377 = tpu.vector_load %arg16[%get3A_375, %get3A_376] {strides = array<i32>} : memref<128x128xf32, #tpu.memory_space<vmem>>, vector<16xf32>,
        %sub3A_378 = arith.subf %get3A_374, %get3A_377 : vector<16xf32>
        %abs3A_379 = math.absf %sub3A_378 : vector<16xf32>
        %add3A_380 = arith.addf %add3A_362, %abs3A_379 : vector<16xf32>
        %get3A_381 = arith.index_cast %add3A_332 : i32 to index
        %get3A_382 = arith.constant 80 : index
        %get3A_383 = tpu.vector_load %arg15[%get3A_381, %get3A_382] {strides = array<i32>} : memref<128x128xf32, #tpu.memory_space<vmem>>, vector<16xf32>,
        %get3A_384 = arith.index_cast %add3A_332 : i32 to index
        %get3A_385 = arith.constant 80 : index
        %get3A_386 = tpu.vector_load %arg16[%get3A_384, %get3A_385] {strides = array<i32>} : memref<128x128xf32, #tpu.memory_space<vmem>>, vector<16xf32>,
        %sub3A_387 = arith.subf %get3A_383, %get3A_386 : vector<16xf32>
        %abs3A_388 = math.absf %sub3A_387 : vector<16xf32>
        %add3A_389 = arith.addf %add3A_371, %abs3A_388 : vector<16xf32>
        %get3A_390 = arith.index_cast %add3A_332 : i32 to index
        %get3A_391 = arith.constant 96 : index
        %get3A_392 = tpu.vector_load %arg15[%get3A_390, %get3A_391] {strides = array<i32>} : memref<128x128xf32, #tpu.memory_space<vmem>>, vector<16xf32>,
        %get3A_393 = arith.index_cast %add3A_332 : i32 to index
        %get3A_394 = arith.constant 96 : index
        %get3A_395 = tpu.vector_load %arg16[%get3A_393, %get3A_394] {strides = array<i32>} : memref<128x128xf32, #tpu.memory_space<vmem>>, vector<16xf32>,
        %sub3A_396 = arith.subf %get3A_392, %get3A_395 : vector<16xf32>
        %abs3A_397 = math.absf %sub3A_396 : vector<16xf32>
        %add3A_398 = arith.addf %add3A_380, %abs3A_397 : vector<16xf32>
        %get3A_399 = arith.index_cast %add3A_332 : i32 to index
        %get3A_400 = arith.constant 112 : index
        %get3A_401 = tpu.vector_load %arg15[%get3A_399, %get3A_400] {strides = array<i32>} : memref<128x128xf32, #tpu.memory_space<vmem>>, vector<16xf32>,
        %get3A_402 = arith.index_cast %add3A_332 : i32 to index
        %get3A_403 = arith.constant 112 : index
        %get3A_404 = tpu.vector_load %arg16[%get3A_402, %get3A_403] {strides = array<i32>} : memref<128x128xf32, #tpu.memory_space<vmem>>, vector<16xf32>,
        %sub3A_405 = arith.subf %get3A_401, %get3A_404 : vector<16xf32>
        %abs3A_406 = math.absf %sub3A_405 : vector<16xf32>
        %add3A_407 = arith.addf %add3A_389, %abs3A_406 : vector<16xf32>
        %swap3A_408 = arith.index_cast %add3A_332 : i32 to index
        %swap3A_409 = arith.constant 0 : index
        %swap3A_410 = tpu.vector_load %arg15[%swap3A_408, %swap3A_409] {strides = array<i32>} : memref<128x128xf32, #tpu.memory_space<vmem>>, vector<16xf32>,
        tpu.vector_store %arg15[%swap3A_408, %swap3A_409], %broadcast_in_dim3A_24 {strides = array<i32>} : memref<128x128xf32, #tpu.memory_space<vmem>>, vector<16xf32>,
        %swap3A_411 = arith.index_cast %add3A_332 : i32 to index
        %swap3A_412 = arith.constant 16 : index
        %swap3A_413 = tpu.vector_load %arg15[%swap3A_411, %swap3A_412] {strides = array<i32>} : memref<128x128xf32, #tpu.memory_space<vmem>>, vector<16xf32>,
        tpu.vector_store %arg15[%swap3A_411, %swap3A_412], %broadcast_in_dim3A_24 {strides = array<i32>} : memref<128x128xf32, #tpu.memory_space<vmem>>, vector<16xf32>,
        %swap3A_414 = arith.index_cast %add3A_332 : i32 to index
        %swap3A_415 = arith.constant 32 : index
        %swap3A_416 = tpu.vector_load %arg15[%swap3A_414, %swap3A_415] {strides = array<i32>} : memref<128x128xf32, #tpu.memory_space<vmem>>, vector<16xf32>,
        tpu.vector_store %arg15[%swap3A_414, %swap3A_415], %broadcast_in_dim3A_24 {strides = array<i32>} : memref<128x128xf32, #tpu.memory_space<vmem>>, vector<16xf32>,
        %swap3A_417 = arith.index_cast %add3A_332 : i32 to index
        %swap3A_418 = arith.constant 48 : index
        %swap3A_419 = tpu.vector_load %arg15[%swap3A_417, %swap3A_418] {strides = array<i32>} : memref<128x128xf32, #tpu.memory_space<vmem>>, vector<16xf32>,
        tpu.vector_store %arg15[%swap3A_417, %swap3A_418], %broadcast_in_dim3A_24 {strides = array<i32>} : memref<128x128xf32, #tpu.memory_space<vmem>>, vector<16xf32>,
        %swap3A_420 = arith.index_cast %add3A_332 : i32 to index
        %swap3A_421 = arith.constant 64 : index
        %swap3A_422 = tpu.vector_load %arg15[%swap3A_420, %swap3A_421] {strides = array<i32>} : memref<128x128xf32, #tpu.memory_space<vmem>>, vector<16xf32>,
        tpu.vector_store %arg15[%swap3A_420, %swap3A_421], %broadcast_in_dim3A_24 {strides = array<i32>} : memref<128x128xf32, #tpu.memory_space<vmem>>, vector<16xf32>,
        %swap3A_423 = arith.index_cast %add3A_332 : i32 to index
        %swap3A_424 = arith.constant 80 : index
        %swap3A_425 = tpu.vector_load %arg15[%swap3A_423, %swap3A_424] {strides = array<i32>} : memref<128x128xf32, #tpu.memory_space<vmem>>, vector<16xf32>,
        tpu.vector_store %arg15[%swap3A_423, %swap3A_424], %broadcast_in_dim3A_24 {strides = array<i32>} : memref<128x128xf32, #tpu.memory_space<vmem>>, vector<16xf32>,
        %swap3A_426 = arith.index_cast %add3A_332 : i32 to index
        %swap3A_427 = arith.constant 96 : index
        %swap3A_428 = tpu.vector_load %arg15[%swap3A_426, %swap3A_427] {strides = array<i32>} : memref<128x128xf32, #tpu.memory_space<vmem>>, vector<16xf32>,
        tpu.vector_store %arg15[%swap3A_426, %swap3A_427], %broadcast_in_dim3A_24 {strides = array<i32>} : memref<128x128xf32, #tpu.memory_space<vmem>>, vector<16xf32>,
        %swap3A_429 = arith.index_cast %add3A_332 : i32 to index
        %swap3A_430 = arith.constant 112 : index
        %swap3A_431 = tpu.vector_load %arg15[%swap3A_429, %swap3A_430] {strides = array<i32>} : memref<128x128xf32, #tpu.memory_space<vmem>>, vector<16xf32>,
        tpu.vector_store %arg15[%swap3A_429, %swap3A_430], %broadcast_in_dim3A_24 {strides = array<i32>} : memref<128x128xf32, #tpu.memory_space<vmem>>, vector<16xf32>,
        %add3A_432 = vector.broadcast %scan3A_328 : i32 to vector<16xi32>
        %add3A_433 = arith.addi %mul3A_27, %add3A_432 : vector<16xi32>
        %add3A_434 = arith.addf %add3A_398, %add3A_407 : vector<16xf32>
        tpu.vector_store_idx %arg12[%add3A_433], %add3A_434 : memref<272xf32, #tpu.memory_space<vmem>>[vector<16xi32>], vector<16xf32>,
        %scan3A_435 = arith.constant 0 : i32
        scf.yield %scan3A_435 : i32
      }
      %scan3A_270 = arith.constant 16 : i32
      %broadcast_in_dim3A_271 = arith.constant 0.000000e+00 : f32
      %broadcast_in_dim3A_272 = vector.broadcast %broadcast_in_dim3A_271 : f32 to vector<16xf32>
      %get3A = arith.constant 0 : index
      %get3A_273 = tpu.vector_load %arg12[%get3A] {strides = array<i32>} : memref<272xf32, #tpu.memory_space<vmem>>, vector<16xf32>,
      %add3A_274 = arith.addf %broadcast_in_dim3A_272, %get3A_273 : vector<16xf32>
      %get3A_275 = arith.constant 17 : index
      %get3A_276 = tpu.vector_load %arg12[%get3A_275] {strides = array<i32>} : memref<272xf32, #tpu.memory_space<vmem>>, vector<16xf32>,
      %add3A_277 = arith.addf %add3A_274, %get3A_276 : vector<16xf32>
      %get3A_278 = arith.constant 34 : index
      %get3A_279 = tpu.vector_load %arg12[%get3A_278] {strides = array<i32>} : memref<272xf32, #tpu.memory_space<vmem>>, vector<16xf32>,
      %add3A_280 = arith.addf %add3A_277, %get3A_279 : vector<16xf32>
      %get3A_281 = arith.constant 51 : index
      %get3A_282 = tpu.vector_load %arg12[%get3A_281] {strides = array<i32>} : memref<272xf32, #tpu.memory_space<vmem>>, vector<16xf32>,
      %add3A_283 = arith.addf %add3A_280, %get3A_282 : vector<16xf32>
      %get3A_284 = arith.constant 68 : index
      %get3A_285 = tpu.vector_load %arg12[%get3A_284] {strides = array<i32>} : memref<272xf32, #tpu.memory_space<vmem>>, vector<16xf32>,
      %add3A_286 = arith.addf %add3A_283, %get3A_285 : vector<16xf32>
      %get3A_287 = arith.constant 85 : index
      %get3A_288 = tpu.vector_load %arg12[%get3A_287] {strides = array<i32>} : memref<272xf32, #tpu.memory_space<vmem>>, vector<16xf32>,
      %add3A_289 = arith.addf %add3A_286, %get3A_288 : vector<16xf32>
      %get3A_290 = arith.constant 102 : index
      %get3A_291 = tpu.vector_load %arg12[%get3A_290] {strides = array<i32>} : memref<272xf32, #tpu.memory_space<vmem>>, vector<16xf32>,
      %add3A_292 = arith.addf %add3A_289, %get3A_291 : vector<16xf32>
      %get3A_293 = arith.constant 119 : index
      %get3A_294 = tpu.vector_load %arg12[%get3A_293] {strides = array<i32>} : memref<272xf32, #tpu.memory_space<vmem>>, vector<16xf32>,
      %add3A_295 = arith.addf %add3A_292, %get3A_294 : vector<16xf32>
      %get3A_296 = arith.constant 136 : index
      %get3A_297 = tpu.vector_load %arg12[%get3A_296] {strides = array<i32>} : memref<272xf32, #tpu.memory_space<vmem>>, vector<16xf32>,
      %add3A_298 = arith.addf %add3A_295, %get3A_297 : vector<16xf32>
      %get3A_299 = arith.constant 153 : index
      %get3A_300 = tpu.vector_load %arg12[%get3A_299] {strides = array<i32>} : memref<272xf32, #tpu.memory_space<vmem>>, vector<16xf32>,
      %add3A_301 = arith.addf %add3A_298, %get3A_300 : vector<16xf32>
      %get3A_302 = arith.constant 170 : index
      %get3A_303 = tpu.vector_load %arg12[%get3A_302] {strides = array<i32>} : memref<272xf32, #tpu.memory_space<vmem>>, vector<16xf32>,
      %add3A_304 = arith.addf %add3A_301, %get3A_303 : vector<16xf32>
      %get3A_305 = arith.constant 187 : index
      %get3A_306 = tpu.vector_load %arg12[%get3A_305] {strides = array<i32>} : memref<272xf32, #tpu.memory_space<vmem>>, vector<16xf32>,
      %add3A_307 = arith.addf %add3A_304, %get3A_306 : vector<16xf32>
      %get3A_308 = arith.constant 204 : index
      %get3A_309 = tpu.vector_load %arg12[%get3A_308] {strides = array<i32>} : memref<272xf32, #tpu.memory_space<vmem>>, vector<16xf32>,
      %add3A_310 = arith.addf %add3A_307, %get3A_309 : vector<16xf32>
      %get3A_311 = arith.constant 221 : index
      %get3A_312 = tpu.vector_load %arg12[%get3A_311] {strides = array<i32>} : memref<272xf32, #tpu.memory_space<vmem>>, vector<16xf32>,
      %add3A_313 = arith.addf %add3A_310, %get3A_312 : vector<16xf32>
      %get3A_314 = arith.constant 238 : index
      %get3A_315 = tpu.vector_load %arg12[%get3A_314] {strides = array<i32>} : memref<272xf32, #tpu.memory_space<vmem>>, vector<16xf32>,
      %add3A_316 = arith.addf %add3A_313, %get3A_315 : vector<16xf32>
      %get3A_317 = arith.constant 255 : index
      %get3A_318 = tpu.vector_load %arg12[%get3A_317] {strides = array<i32>} : memref<272xf32, #tpu.memory_space<vmem>>, vector<16xf32>,
      %add3A_319 = arith.addf %add3A_316, %get3A_318 : vector<16xf32>
      %sub3A = arith.constant 1.200000e+01 : f32
      %sub3A_320 = vector.broadcast %sub3A : f32 to vector<16xf32>
      %sub3A_321 = arith.subf %sub3A_320, %add3A_319 : vector<16xf32>
      %mul3A_322 = arith.constant 16 : i32
      %mul3A_323 = arith.muli %scan3A_262, %mul3A_322 : i32
      %add3A_324 = arith.constant 128 : i32
      %add3A_325 = arith.addi %add3A_324, %mul3A_323 : i32
      %swap3A = arith.index_cast %add3A_325 : i32 to index
      %swap3A_326 = tpu.vector_load %arg11[%swap3A] {strides = array<i32>} : memref<512xf32, #tpu.memory_space<vmem>>, vector<16xf32>,
      tpu.vector_store %arg11[%swap3A], %sub3A_321 {strides = array<i32>} : memref<512xf32, #tpu.memory_space<vmem>>, vector<16xf32>,
      %scan3A_327 = arith.constant 0 : i32
      scf.yield %scan3A_327 : i32
    }
    %scan3A_182 = arith.constant 8 : i32
    %dma_start3A_183 = arith.constant 3 : i32
    %dma_start3A_184 = arith.constant 0 : i32
    %dma_start3A_185 = tpu.memref_slice %arg8[%dma_start3A_183, %dma_start3A_184] : memref<4x128xi32, #tpu.memory_space<vmem>> -> memref<1x128xi32, #tpu.memory_space<vmem>>
    %dma_start3A_186 = tpu.memref_squeeze %dma_start3A_185 : memref<1x128xi32, #tpu.memory_space<vmem>> -> memref<128xi32, #tpu.memory_space<vmem>>
    %dma_start3A_187 = arith.constant 0 : i32
    %dma_start3A_188 = arith.constant 0 : i32
    %dma_start3A_189 = tpu.memref_slice %arg5[%dma_start3A_187, %dma_start3A_188] : memref<100000x128xf32, #tpu.memory_space<hbm>> -> memref<100000x128xf32, #tpu.memory_space<hbm>>
    tpu.enqueue_indirect_dma source(%dma_start3A_189 : memref<100000x128xf32, #tpu.memory_space<hbm>>) target(%arg15 : memref<128x128xf32, #tpu.memory_space<vmem>>) offsets(%dma_start3A_186 : memref<128xi32, #tpu.memory_space<vmem>>) semaphore(%arg18 : memref<!tpu.dma_semaphore, #tpu.memory_space<semaphore_mem>>) {add = true}
    %dma_start3A_190 = arith.constant 3 : i32
    %dma_start3A_191 = arith.constant 0 : i32
    %dma_start3A_192 = tpu.memref_slice %arg9[%dma_start3A_190, %dma_start3A_191] : memref<4x128xi32, #tpu.memory_space<vmem>> -> memref<1x128xi32, #tpu.memory_space<vmem>>
    %dma_start3A_193 = tpu.memref_squeeze %dma_start3A_192 : memref<1x128xi32, #tpu.memory_space<vmem>> -> memref<128xi32, #tpu.memory_space<vmem>>
    %dma_start3A_194 = arith.constant 0 : i32
    %dma_start3A_195 = arith.constant 0 : i32
    %dma_start3A_196 = tpu.memref_slice %arg6[%dma_start3A_194, %dma_start3A_195] : memref<100000x128xf32, #tpu.memory_space<hbm>> -> memref<100000x128xf32, #tpu.memory_space<hbm>>
    tpu.enqueue_indirect_dma source(%dma_start3A_196 : memref<100000x128xf32, #tpu.memory_space<hbm>>) target(%arg15 : memref<128x128xf32, #tpu.memory_space<vmem>>) offsets(%dma_start3A_193 : memref<128xi32, #tpu.memory_space<vmem>>) semaphore(%arg18 : memref<!tpu.dma_semaphore, #tpu.memory_space<semaphore_mem>>) {add = true}
    %dma_start3A_197 = arith.constant 3 : i32
    %dma_start3A_198 = arith.constant 0 : i32
    %dma_start3A_199 = tpu.memref_slice %arg10[%dma_start3A_197, %dma_start3A_198] : memref<4x128xi32, #tpu.memory_space<vmem>> -> memref<1x128xi32, #tpu.memory_space<vmem>>
    %dma_start3A_200 = tpu.memref_squeeze %dma_start3A_199 : memref<1x128xi32, #tpu.memory_space<vmem>> -> memref<128xi32, #tpu.memory_space<vmem>>
    %dma_start3A_201 = arith.constant 0 : i32
    %dma_start3A_202 = arith.constant 0 : i32
    %dma_start3A_203 = tpu.memref_slice %arg5[%dma_start3A_201, %dma_start3A_202] : memref<100000x128xf32, #tpu.memory_space<hbm>> -> memref<100000x128xf32, #tpu.memory_space<hbm>>
    tpu.enqueue_indirect_dma source(%dma_start3A_203 : memref<100000x128xf32, #tpu.memory_space<hbm>>) target(%arg16 : memref<128x128xf32, #tpu.memory_space<vmem>>) offsets(%dma_start3A_200 : memref<128xi32, #tpu.memory_space<vmem>>) semaphore(%arg18 : memref<!tpu.dma_semaphore, #tpu.memory_space<semaphore_mem>>)
    %dma_wait3A_204 = arith.constant 2 : i32
    %dma_wait3A_205 = arith.constant 0 : i32
    %dma_wait3A_206 = tpu.memref_slice %arg8[%dma_wait3A_204, %dma_wait3A_205] : memref<4x128xi32, #tpu.memory_space<vmem>> -> memref<1x128xi32, #tpu.memory_space<vmem>>
    %dma_wait3A_207 = tpu.memref_squeeze %dma_wait3A_206 : memref<1x128xi32, #tpu.memory_space<vmem>> -> memref<128xi32, #tpu.memory_space<vmem>>
    %dma_wait3A_208 = arith.constant 0 : i32
    %dma_wait3A_209 = arith.constant 0 : i32
    %dma_wait3A_210 = tpu.memref_slice %arg5[%dma_wait3A_208, %dma_wait3A_209] : memref<100000x128xf32, #tpu.memory_space<hbm>> -> memref<100000x128xf32, #tpu.memory_space<hbm>>
    tpu.wait_indirect_dma semaphore(%arg17 : memref<!tpu.dma_semaphore, #tpu.memory_space<semaphore_mem>>) src(%dma_wait3A_210 : memref<100000x128xf32, #tpu.memory_space<hbm>>) dst(%arg13 : memref<128x128xf32, #tpu.memory_space<vmem>>)
    %dma_wait3A_211 = arith.constant 2 : i32
    %dma_wait3A_212 = arith.constant 0 : i32
    %dma_wait3A_213 = tpu.memref_slice %arg9[%dma_wait3A_211, %dma_wait3A_212] : memref<4x128xi32, #tpu.memory_space<vmem>> -> memref<1x128xi32, #tpu.memory_space<vmem>>
    %dma_wait3A_214 = tpu.memref_squeeze %dma_wait3A_213 : memref<1x128xi32, #tpu.memory_space<vmem>> -> memref<128xi32, #tpu.memory_space<vmem>>
    %dma_wait3A_215 = arith.constant 0 : i32
    %dma_wait3A_216 = arith.constant 0 : i32
    %dma_wait3A_217 = tpu.memref_slice %arg6[%dma_wait3A_215, %dma_wait3A_216] : memref<100000x128xf32, #tpu.memory_space<hbm>> -> memref<100000x128xf32, #tpu.memory_space<hbm>>
    tpu.wait_indirect_dma semaphore(%arg17 : memref<!tpu.dma_semaphore, #tpu.memory_space<semaphore_mem>>) src(%dma_wait3A_217 : memref<100000x128xf32, #tpu.memory_space<hbm>>) dst(%arg13 : memref<128x128xf32, #tpu.memory_space<vmem>>)
    %dma_wait3A_218 = arith.constant 2 : i32
    %dma_wait3A_219 = arith.constant 0 : i32
    %dma_wait3A_220 = tpu.memref_slice %arg10[%dma_wait3A_218, %dma_wait3A_219] : memref<4x128xi32, #tpu.memory_space<vmem>> -> memref<1x128xi32, #tpu.memory_space<vmem>>
    %dma_wait3A_221 = tpu.memref_squeeze %dma_wait3A_220 : memref<1x128xi32, #tpu.memory_space<vmem>> -> memref<128xi32, #tpu.memory_space<vmem>>
    %dma_wait3A_222 = arith.constant 0 : i32
    %dma_wait3A_223 = arith.constant 0 : i32
    %dma_wait3A_224 = tpu.memref_slice %arg5[%dma_wait3A_222, %dma_wait3A_223] : memref<100000x128xf32, #tpu.memory_space<hbm>> -> memref<100000x128xf32, #tpu.memory_space<hbm>>
    tpu.wait_indirect_dma semaphore(%arg17 : memref<!tpu.dma_semaphore, #tpu.memory_space<semaphore_mem>>) src(%dma_wait3A_224 : memref<100000x128xf32, #tpu.memory_space<hbm>>) dst(%arg14 : memref<128x128xf32, #tpu.memory_space<vmem>>)
    %scan3A_225 = arith.constant 0 : i32
    %scan3A_226 = arith.constant 0 : i32
    %scan3A_227 = arith.constant 8 : i32
    %scan3A_228 = arith.addi %scan3A_226, %scan3A_227 : i32
    %scan3A_229 = arith.constant 1 : i32
    %scan3A_230 = scf.for %scan3A_262 = %scan3A_226 to %scan3A_228 step %scan3A_229 iter_args(%scan3A_263 = %scan3A_225) -> (i32)  : i32 {
      %scan3A_264 = arith.constant 0 : i32
      %scan3A_265 = arith.constant 0 : i32
      %scan3A_266 = arith.constant 16 : i32
      %scan3A_267 = arith.addi %scan3A_265, %scan3A_266 : i32
      %scan3A_268 = arith.constant 1 : i32
      %scan3A_269 = scf.for %scan3A_328 = %scan3A_265 to %scan3A_267 step %scan3A_268 iter_args(%scan3A_329 = %scan3A_264) -> (i32)  : i32 {
        %mul3A_330 = arith.constant 16 : i32
        %mul3A_331 = arith.muli %scan3A_262, %mul3A_330 : i32
        %add3A_332 = arith.addi %mul3A_331, %scan3A_328 : i32
        %broadcast_in_dim3A_333 = arith.constant 0.000000e+00 : f32
        %broadcast_in_dim3A_334 = vector.broadcast %broadcast_in_dim3A_333 : f32 to vector<16xf32>
        %broadcast_in_dim3A_335 = arith.constant 0.000000e+00 : f32
        %broadcast_in_dim3A_336 = vector.broadcast %broadcast_in_dim3A_335 : f32 to vector<16xf32>
        %get3A_337 = arith.index_cast %add3A_332 : i32 to index
        %get3A_338 = arith.constant 0 : index
        %get3A_339 = tpu.vector_load %arg13[%get3A_337, %get3A_338] {strides = array<i32>} : memref<128x128xf32, #tpu.memory_space<vmem>>, vector<16xf32>,
        %get3A_340 = arith.index_cast %add3A_332 : i32 to index
        %get3A_341 = arith.constant 0 : index
        %get3A_342 = tpu.vector_load %arg14[%get3A_340, %get3A_341] {strides = array<i32>} : memref<128x128xf32, #tpu.memory_space<vmem>>, vector<16xf32>,
        %sub3A_343 = arith.subf %get3A_339, %get3A_342 : vector<16xf32>
        %abs3A = math.absf %sub3A_343 : vector<16xf32>
        %add3A_344 = arith.addf %broadcast_in_dim3A_334, %abs3A : vector<16xf32>
        %get3A_345 = arith.index_cast %add3A_332 : i32 to index
        %get3A_346 = arith.constant 16 : index
        %get3A_347 = tpu.vector_load %arg13[%get3A_345, %get3A_346] {strides = array<i32>} : memref<128x128xf32, #tpu.memory_space<vmem>>, vector<16xf32>,
        %get3A_348 = arith.index_cast %add3A_332 : i32 to index
        %get3A_349 = arith.constant 16 : index
        %get3A_350 = tpu.vector_load %arg14[%get3A_348, %get3A_349] {strides = array<i32>} : memref<128x128xf32, #tpu.memory_space<vmem>>, vector<16xf32>,
        %sub3A_351 = arith.subf %get3A_347, %get3A_350 : vector<16xf32>
        %abs3A_352 = math.absf %sub3A_351 : vector<16xf32>
        %add3A_353 = arith.addf %broadcast_in_dim3A_336, %abs3A_352 : vector<16xf32>
        %get3A_354 = arith.index_cast %add3A_332 : i32 to index
        %get3A_355 = arith.constant 32 : index
        %get3A_356 = tpu.vector_load %arg13[%get3A_354, %get3A_355] {strides = array<i32>} : memref<128x128xf32, #tpu.memory_space<vmem>>, vector<16xf32>,
        %get3A_357 = arith.index_cast %add3A_332 : i32 to index
        %get3A_358 = arith.constant 32 : index
        %get3A_359 = tpu.vector_load %arg14[%get3A_357, %get3A_358] {strides = array<i32>} : memref<128x128xf32, #tpu.memory_space<vmem>>, vector<16xf32>,
        %sub3A_360 = arith.subf %get3A_356, %get3A_359 : vector<16xf32>
        %abs3A_361 = math.absf %sub3A_360 : vector<16xf32>
        %add3A_362 = arith.addf %add3A_344, %abs3A_361 : vector<16xf32>
        %get3A_363 = arith.index_cast %add3A_332 : i32 to index
        %get3A_364 = arith.constant 48 : index
        %get3A_365 = tpu.vector_load %arg13[%get3A_363, %get3A_364] {strides = array<i32>} : memref<128x128xf32, #tpu.memory_space<vmem>>, vector<16xf32>,
        %get3A_366 = arith.index_cast %add3A_332 : i32 to index
        %get3A_367 = arith.constant 48 : index
        %get3A_368 = tpu.vector_load %arg14[%get3A_366, %get3A_367] {strides = array<i32>} : memref<128x128xf32, #tpu.memory_space<vmem>>, vector<16xf32>,
        %sub3A_369 = arith.subf %get3A_365, %get3A_368 : vector<16xf32>
        %abs3A_370 = math.absf %sub3A_369 : vector<16xf32>
        %add3A_371 = arith.addf %add3A_353, %abs3A_370 : vector<16xf32>
        %get3A_372 = arith.index_cast %add3A_332 : i32 to index
        %get3A_373 = arith.constant 64 : index
        %get3A_374 = tpu.vector_load %arg13[%get3A_372, %get3A_373] {strides = array<i32>} : memref<128x128xf32, #tpu.memory_space<vmem>>, vector<16xf32>,
        %get3A_375 = arith.index_cast %add3A_332 : i32 to index
        %get3A_376 = arith.constant 64 : index
        %get3A_377 = tpu.vector_load %arg14[%get3A_375, %get3A_376] {strides = array<i32>} : memref<128x128xf32, #tpu.memory_space<vmem>>, vector<16xf32>,
        %sub3A_378 = arith.subf %get3A_374, %get3A_377 : vector<16xf32>
        %abs3A_379 = math.absf %sub3A_378 : vector<16xf32>
        %add3A_380 = arith.addf %add3A_362, %abs3A_379 : vector<16xf32>
        %get3A_381 = arith.index_cast %add3A_332 : i32 to index
        %get3A_382 = arith.constant 80 : index
        %get3A_383 = tpu.vector_load %arg13[%get3A_381, %get3A_382] {strides = array<i32>} : memref<128x128xf32, #tpu.memory_space<vmem>>, vector<16xf32>,
        %get3A_384 = arith.index_cast %add3A_332 : i32 to index
        %get3A_385 = arith.constant 80 : index
        %get3A_386 = tpu.vector_load %arg14[%get3A_384, %get3A_385] {strides = array<i32>} : memref<128x128xf32, #tpu.memory_space<vmem>>, vector<16xf32>,
        %sub3A_387 = arith.subf %get3A_383, %get3A_386 : vector<16xf32>
        %abs3A_388 = math.absf %sub3A_387 : vector<16xf32>
        %add3A_389 = arith.addf %add3A_371, %abs3A_388 : vector<16xf32>
        %get3A_390 = arith.index_cast %add3A_332 : i32 to index
        %get3A_391 = arith.constant 96 : index
        %get3A_392 = tpu.vector_load %arg13[%get3A_390, %get3A_391] {strides = array<i32>} : memref<128x128xf32, #tpu.memory_space<vmem>>, vector<16xf32>,
        %get3A_393 = arith.index_cast %add3A_332 : i32 to index
        %get3A_394 = arith.constant 96 : index
        %get3A_395 = tpu.vector_load %arg14[%get3A_393, %get3A_394] {strides = array<i32>} : memref<128x128xf32, #tpu.memory_space<vmem>>, vector<16xf32>,
        %sub3A_396 = arith.subf %get3A_392, %get3A_395 : vector<16xf32>
        %abs3A_397 = math.absf %sub3A_396 : vector<16xf32>
        %add3A_398 = arith.addf %add3A_380, %abs3A_397 : vector<16xf32>
        %get3A_399 = arith.index_cast %add3A_332 : i32 to index
        %get3A_400 = arith.constant 112 : index
        %get3A_401 = tpu.vector_load %arg13[%get3A_399, %get3A_400] {strides = array<i32>} : memref<128x128xf32, #tpu.memory_space<vmem>>, vector<16xf32>,
        %get3A_402 = arith.index_cast %add3A_332 : i32 to index
        %get3A_403 = arith.constant 112 : index
        %get3A_404 = tpu.vector_load %arg14[%get3A_402, %get3A_403] {strides = array<i32>} : memref<128x128xf32, #tpu.memory_space<vmem>>, vector<16xf32>,
        %sub3A_405 = arith.subf %get3A_401, %get3A_404 : vector<16xf32>
        %abs3A_406 = math.absf %sub3A_405 : vector<16xf32>
        %add3A_407 = arith.addf %add3A_389, %abs3A_406 : vector<16xf32>
        %add3A_408 = vector.broadcast %scan3A_328 : i32 to vector<16xi32>
        %add3A_409 = arith.addi %mul3A_27, %add3A_408 : vector<16xi32>
        %add3A_410 = arith.addf %add3A_398, %add3A_407 : vector<16xf32>
        tpu.vector_store_idx %arg12[%add3A_409], %add3A_410 : memref<272xf32, #tpu.memory_space<vmem>>[vector<16xi32>], vector<16xf32>,
        %scan3A_411 = arith.constant 0 : i32
        scf.yield %scan3A_411 : i32
      }
      %scan3A_270 = arith.constant 16 : i32
      %broadcast_in_dim3A_271 = arith.constant 0.000000e+00 : f32
      %broadcast_in_dim3A_272 = vector.broadcast %broadcast_in_dim3A_271 : f32 to vector<16xf32>
      %get3A = arith.constant 0 : index
      %get3A_273 = tpu.vector_load %arg12[%get3A] {strides = array<i32>} : memref<272xf32, #tpu.memory_space<vmem>>, vector<16xf32>,
      %add3A_274 = arith.addf %broadcast_in_dim3A_272, %get3A_273 : vector<16xf32>
      %get3A_275 = arith.constant 17 : index
      %get3A_276 = tpu.vector_load %arg12[%get3A_275] {strides = array<i32>} : memref<272xf32, #tpu.memory_space<vmem>>, vector<16xf32>,
      %add3A_277 = arith.addf %add3A_274, %get3A_276 : vector<16xf32>
      %get3A_278 = arith.constant 34 : index
      %get3A_279 = tpu.vector_load %arg12[%get3A_278] {strides = array<i32>} : memref<272xf32, #tpu.memory_space<vmem>>, vector<16xf32>,
      %add3A_280 = arith.addf %add3A_277, %get3A_279 : vector<16xf32>
      %get3A_281 = arith.constant 51 : index
      %get3A_282 = tpu.vector_load %arg12[%get3A_281] {strides = array<i32>} : memref<272xf32, #tpu.memory_space<vmem>>, vector<16xf32>,
      %add3A_283 = arith.addf %add3A_280, %get3A_282 : vector<16xf32>
      %get3A_284 = arith.constant 68 : index
      %get3A_285 = tpu.vector_load %arg12[%get3A_284] {strides = array<i32>} : memref<272xf32, #tpu.memory_space<vmem>>, vector<16xf32>,
      %add3A_286 = arith.addf %add3A_283, %get3A_285 : vector<16xf32>
      %get3A_287 = arith.constant 85 : index
      %get3A_288 = tpu.vector_load %arg12[%get3A_287] {strides = array<i32>} : memref<272xf32, #tpu.memory_space<vmem>>, vector<16xf32>,
      %add3A_289 = arith.addf %add3A_286, %get3A_288 : vector<16xf32>
      %get3A_290 = arith.constant 102 : index
      %get3A_291 = tpu.vector_load %arg12[%get3A_290] {strides = array<i32>} : memref<272xf32, #tpu.memory_space<vmem>>, vector<16xf32>,
      %add3A_292 = arith.addf %add3A_289, %get3A_291 : vector<16xf32>
      %get3A_293 = arith.constant 119 : index
      %get3A_294 = tpu.vector_load %arg12[%get3A_293] {strides = array<i32>} : memref<272xf32, #tpu.memory_space<vmem>>, vector<16xf32>,
      %add3A_295 = arith.addf %add3A_292, %get3A_294 : vector<16xf32>
      %get3A_296 = arith.constant 136 : index
      %get3A_297 = tpu.vector_load %arg12[%get3A_296] {strides = array<i32>} : memref<272xf32, #tpu.memory_space<vmem>>, vector<16xf32>,
      %add3A_298 = arith.addf %add3A_295, %get3A_297 : vector<16xf32>
      %get3A_299 = arith.constant 153 : index
      %get3A_300 = tpu.vector_load %arg12[%get3A_299] {strides = array<i32>} : memref<272xf32, #tpu.memory_space<vmem>>, vector<16xf32>,
      %add3A_301 = arith.addf %add3A_298, %get3A_300 : vector<16xf32>
      %get3A_302 = arith.constant 170 : index
      %get3A_303 = tpu.vector_load %arg12[%get3A_302] {strides = array<i32>} : memref<272xf32, #tpu.memory_space<vmem>>, vector<16xf32>,
      %add3A_304 = arith.addf %add3A_301, %get3A_303 : vector<16xf32>
      %get3A_305 = arith.constant 187 : index
      %get3A_306 = tpu.vector_load %arg12[%get3A_305] {strides = array<i32>} : memref<272xf32, #tpu.memory_space<vmem>>, vector<16xf32>,
      %add3A_307 = arith.addf %add3A_304, %get3A_306 : vector<16xf32>
      %get3A_308 = arith.constant 204 : index
      %get3A_309 = tpu.vector_load %arg12[%get3A_308] {strides = array<i32>} : memref<272xf32, #tpu.memory_space<vmem>>, vector<16xf32>,
      %add3A_310 = arith.addf %add3A_307, %get3A_309 : vector<16xf32>
      %get3A_311 = arith.constant 221 : index
      %get3A_312 = tpu.vector_load %arg12[%get3A_311] {strides = array<i32>} : memref<272xf32, #tpu.memory_space<vmem>>, vector<16xf32>,
      %add3A_313 = arith.addf %add3A_310, %get3A_312 : vector<16xf32>
      %get3A_314 = arith.constant 238 : index
      %get3A_315 = tpu.vector_load %arg12[%get3A_314] {strides = array<i32>} : memref<272xf32, #tpu.memory_space<vmem>>, vector<16xf32>,
      %add3A_316 = arith.addf %add3A_313, %get3A_315 : vector<16xf32>
      %get3A_317 = arith.constant 255 : index
      %get3A_318 = tpu.vector_load %arg12[%get3A_317] {strides = array<i32>} : memref<272xf32, #tpu.memory_space<vmem>>, vector<16xf32>,
      %add3A_319 = arith.addf %add3A_316, %get3A_318 : vector<16xf32>
      %sub3A = arith.constant 1.200000e+01 : f32
      %sub3A_320 = vector.broadcast %sub3A : f32 to vector<16xf32>
      %sub3A_321 = arith.subf %sub3A_320, %add3A_319 : vector<16xf32>
      %mul3A_322 = arith.constant 16 : i32
      %mul3A_323 = arith.muli %scan3A_262, %mul3A_322 : i32
      %add3A_324 = arith.constant 256 : i32
      %add3A_325 = arith.addi %add3A_324, %mul3A_323 : i32
      %swap3A = arith.index_cast %add3A_325 : i32 to index
      %swap3A_326 = tpu.vector_load %arg11[%swap3A] {strides = array<i32>} : memref<512xf32, #tpu.memory_space<vmem>>, vector<16xf32>,
      tpu.vector_store %arg11[%swap3A], %sub3A_321 {strides = array<i32>} : memref<512xf32, #tpu.memory_space<vmem>>, vector<16xf32>,
      %scan3A_327 = arith.constant 0 : i32
      scf.yield %scan3A_327 : i32
    }
    %scan3A_231 = arith.constant 8 : i32
    %dma_wait3A_232 = arith.constant 3 : i32
    %dma_wait3A_233 = arith.constant 0 : i32
    %dma_wait3A_234 = tpu.memref_slice %arg8[%dma_wait3A_232, %dma_wait3A_233] : memref<4x128xi32, #tpu.memory_space<vmem>> -> memref<1x128xi32, #tpu.memory_space<vmem>>
    %dma_wait3A_235 = tpu.memref_squeeze %dma_wait3A_234 : memref<1x128xi32, #tpu.memory_space<vmem>> -> memref<128xi32, #tpu.memory_space<vmem>>
    %dma_wait3A_236 = arith.constant 0 : i32
    %dma_wait3A_237 = arith.constant 0 : i32
    %dma_wait3A_238 = tpu.memref_slice %arg5[%dma_wait3A_236, %dma_wait3A_237] : memref<100000x128xf32, #tpu.memory_space<hbm>> -> memref<100000x128xf32, #tpu.memory_space<hbm>>
    tpu.wait_indirect_dma semaphore(%arg18 : memref<!tpu.dma_semaphore, #tpu.memory_space<semaphore_mem>>) src(%dma_wait3A_238 : memref<100000x128xf32, #tpu.memory_space<hbm>>) dst(%arg15 : memref<128x128xf32, #tpu.memory_space<vmem>>)
    %dma_wait3A_239 = arith.constant 3 : i32
    %dma_wait3A_240 = arith.constant 0 : i32
    %dma_wait3A_241 = tpu.memref_slice %arg9[%dma_wait3A_239, %dma_wait3A_240] : memref<4x128xi32, #tpu.memory_space<vmem>> -> memref<1x128xi32, #tpu.memory_space<vmem>>
    %dma_wait3A_242 = tpu.memref_squeeze %dma_wait3A_241 : memref<1x128xi32, #tpu.memory_space<vmem>> -> memref<128xi32, #tpu.memory_space<vmem>>
    %dma_wait3A_243 = arith.constant 0 : i32
    %dma_wait3A_244 = arith.constant 0 : i32
    %dma_wait3A_245 = tpu.memref_slice %arg6[%dma_wait3A_243, %dma_wait3A_244] : memref<100000x128xf32, #tpu.memory_space<hbm>> -> memref<100000x128xf32, #tpu.memory_space<hbm>>
    tpu.wait_indirect_dma semaphore(%arg18 : memref<!tpu.dma_semaphore, #tpu.memory_space<semaphore_mem>>) src(%dma_wait3A_245 : memref<100000x128xf32, #tpu.memory_space<hbm>>) dst(%arg15 : memref<128x128xf32, #tpu.memory_space<vmem>>)
    %dma_wait3A_246 = arith.constant 3 : i32
    %dma_wait3A_247 = arith.constant 0 : i32
    %dma_wait3A_248 = tpu.memref_slice %arg10[%dma_wait3A_246, %dma_wait3A_247] : memref<4x128xi32, #tpu.memory_space<vmem>> -> memref<1x128xi32, #tpu.memory_space<vmem>>
    %dma_wait3A_249 = tpu.memref_squeeze %dma_wait3A_248 : memref<1x128xi32, #tpu.memory_space<vmem>> -> memref<128xi32, #tpu.memory_space<vmem>>
    %dma_wait3A_250 = arith.constant 0 : i32
    %dma_wait3A_251 = arith.constant 0 : i32
    %dma_wait3A_252 = tpu.memref_slice %arg5[%dma_wait3A_250, %dma_wait3A_251] : memref<100000x128xf32, #tpu.memory_space<hbm>> -> memref<100000x128xf32, #tpu.memory_space<hbm>>
    tpu.wait_indirect_dma semaphore(%arg18 : memref<!tpu.dma_semaphore, #tpu.memory_space<semaphore_mem>>) src(%dma_wait3A_252 : memref<100000x128xf32, #tpu.memory_space<hbm>>) dst(%arg16 : memref<128x128xf32, #tpu.memory_space<vmem>>)
    %scan3A_253 = arith.constant 0 : i32
    %scan3A_254 = arith.constant 0 : i32
    %scan3A_255 = arith.constant 8 : i32
    %scan3A_256 = arith.addi %scan3A_254, %scan3A_255 : i32
    %scan3A_257 = arith.constant 1 : i32
    %scan3A_258 = scf.for %scan3A_262 = %scan3A_254 to %scan3A_256 step %scan3A_257 iter_args(%scan3A_263 = %scan3A_253) -> (i32)  : i32 {
      %scan3A_264 = arith.constant 0 : i32
      %scan3A_265 = arith.constant 0 : i32
      %scan3A_266 = arith.constant 16 : i32
      %scan3A_267 = arith.addi %scan3A_265, %scan3A_266 : i32
      %scan3A_268 = arith.constant 1 : i32
      %scan3A_269 = scf.for %scan3A_328 = %scan3A_265 to %scan3A_267 step %scan3A_268 iter_args(%scan3A_329 = %scan3A_264) -> (i32)  : i32 {
        %mul3A_330 = arith.constant 16 : i32
        %mul3A_331 = arith.muli %scan3A_262, %mul3A_330 : i32
        %add3A_332 = arith.addi %mul3A_331, %scan3A_328 : i32
        %broadcast_in_dim3A_333 = arith.constant 0.000000e+00 : f32
        %broadcast_in_dim3A_334 = vector.broadcast %broadcast_in_dim3A_333 : f32 to vector<16xf32>
        %broadcast_in_dim3A_335 = arith.constant 0.000000e+00 : f32
        %broadcast_in_dim3A_336 = vector.broadcast %broadcast_in_dim3A_335 : f32 to vector<16xf32>
        %get3A_337 = arith.index_cast %add3A_332 : i32 to index
        %get3A_338 = arith.constant 0 : index
        %get3A_339 = tpu.vector_load %arg15[%get3A_337, %get3A_338] {strides = array<i32>} : memref<128x128xf32, #tpu.memory_space<vmem>>, vector<16xf32>,
        %get3A_340 = arith.index_cast %add3A_332 : i32 to index
        %get3A_341 = arith.constant 0 : index
        %get3A_342 = tpu.vector_load %arg16[%get3A_340, %get3A_341] {strides = array<i32>} : memref<128x128xf32, #tpu.memory_space<vmem>>, vector<16xf32>,
        %sub3A_343 = arith.subf %get3A_339, %get3A_342 : vector<16xf32>
        %abs3A = math.absf %sub3A_343 : vector<16xf32>
        %add3A_344 = arith.addf %broadcast_in_dim3A_334, %abs3A : vector<16xf32>
        %get3A_345 = arith.index_cast %add3A_332 : i32 to index
        %get3A_346 = arith.constant 16 : index
        %get3A_347 = tpu.vector_load %arg15[%get3A_345, %get3A_346] {strides = array<i32>} : memref<128x128xf32, #tpu.memory_space<vmem>>, vector<16xf32>,
        %get3A_348 = arith.index_cast %add3A_332 : i32 to index
        %get3A_349 = arith.constant 16 : index
        %get3A_350 = tpu.vector_load %arg16[%get3A_348, %get3A_349] {strides = array<i32>} : memref<128x128xf32, #tpu.memory_space<vmem>>, vector<16xf32>,
        %sub3A_351 = arith.subf %get3A_347, %get3A_350 : vector<16xf32>
        %abs3A_352 = math.absf %sub3A_351 : vector<16xf32>
        %add3A_353 = arith.addf %broadcast_in_dim3A_336, %abs3A_352 : vector<16xf32>
        %get3A_354 = arith.index_cast %add3A_332 : i32 to index
        %get3A_355 = arith.constant 32 : index
        %get3A_356 = tpu.vector_load %arg15[%get3A_354, %get3A_355] {strides = array<i32>} : memref<128x128xf32, #tpu.memory_space<vmem>>, vector<16xf32>,
        %get3A_357 = arith.index_cast %add3A_332 : i32 to index
        %get3A_358 = arith.constant 32 : index
        %get3A_359 = tpu.vector_load %arg16[%get3A_357, %get3A_358] {strides = array<i32>} : memref<128x128xf32, #tpu.memory_space<vmem>>, vector<16xf32>,
        %sub3A_360 = arith.subf %get3A_356, %get3A_359 : vector<16xf32>
        %abs3A_361 = math.absf %sub3A_360 : vector<16xf32>
        %add3A_362 = arith.addf %add3A_344, %abs3A_361 : vector<16xf32>
        %get3A_363 = arith.index_cast %add3A_332 : i32 to index
        %get3A_364 = arith.constant 48 : index
        %get3A_365 = tpu.vector_load %arg15[%get3A_363, %get3A_364] {strides = array<i32>} : memref<128x128xf32, #tpu.memory_space<vmem>>, vector<16xf32>,
        %get3A_366 = arith.index_cast %add3A_332 : i32 to index
        %get3A_367 = arith.constant 48 : index
        %get3A_368 = tpu.vector_load %arg16[%get3A_366, %get3A_367] {strides = array<i32>} : memref<128x128xf32, #tpu.memory_space<vmem>>, vector<16xf32>,
        %sub3A_369 = arith.subf %get3A_365, %get3A_368 : vector<16xf32>
        %abs3A_370 = math.absf %sub3A_369 : vector<16xf32>
        %add3A_371 = arith.addf %add3A_353, %abs3A_370 : vector<16xf32>
        %get3A_372 = arith.index_cast %add3A_332 : i32 to index
        %get3A_373 = arith.constant 64 : index
        %get3A_374 = tpu.vector_load %arg15[%get3A_372, %get3A_373] {strides = array<i32>} : memref<128x128xf32, #tpu.memory_space<vmem>>, vector<16xf32>,
        %get3A_375 = arith.index_cast %add3A_332 : i32 to index
        %get3A_376 = arith.constant 64 : index
        %get3A_377 = tpu.vector_load %arg16[%get3A_375, %get3A_376] {strides = array<i32>} : memref<128x128xf32, #tpu.memory_space<vmem>>, vector<16xf32>,
        %sub3A_378 = arith.subf %get3A_374, %get3A_377 : vector<16xf32>
        %abs3A_379 = math.absf %sub3A_378 : vector<16xf32>
        %add3A_380 = arith.addf %add3A_362, %abs3A_379 : vector<16xf32>
        %get3A_381 = arith.index_cast %add3A_332 : i32 to index
        %get3A_382 = arith.constant 80 : index
        %get3A_383 = tpu.vector_load %arg15[%get3A_381, %get3A_382] {strides = array<i32>} : memref<128x128xf32, #tpu.memory_space<vmem>>, vector<16xf32>,
        %get3A_384 = arith.index_cast %add3A_332 : i32 to index
        %get3A_385 = arith.constant 80 : index
        %get3A_386 = tpu.vector_load %arg16[%get3A_384, %get3A_385] {strides = array<i32>} : memref<128x128xf32, #tpu.memory_space<vmem>>, vector<16xf32>,
        %sub3A_387 = arith.subf %get3A_383, %get3A_386 : vector<16xf32>
        %abs3A_388 = math.absf %sub3A_387 : vector<16xf32>
        %add3A_389 = arith.addf %add3A_371, %abs3A_388 : vector<16xf32>
        %get3A_390 = arith.index_cast %add3A_332 : i32 to index
        %get3A_391 = arith.constant 96 : index
        %get3A_392 = tpu.vector_load %arg15[%get3A_390, %get3A_391] {strides = array<i32>} : memref<128x128xf32, #tpu.memory_space<vmem>>, vector<16xf32>,
        %get3A_393 = arith.index_cast %add3A_332 : i32 to index
        %get3A_394 = arith.constant 96 : index
        %get3A_395 = tpu.vector_load %arg16[%get3A_393, %get3A_394] {strides = array<i32>} : memref<128x128xf32, #tpu.memory_space<vmem>>, vector<16xf32>,
        %sub3A_396 = arith.subf %get3A_392, %get3A_395 : vector<16xf32>
        %abs3A_397 = math.absf %sub3A_396 : vector<16xf32>
        %add3A_398 = arith.addf %add3A_380, %abs3A_397 : vector<16xf32>
        %get3A_399 = arith.index_cast %add3A_332 : i32 to index
        %get3A_400 = arith.constant 112 : index
        %get3A_401 = tpu.vector_load %arg15[%get3A_399, %get3A_400] {strides = array<i32>} : memref<128x128xf32, #tpu.memory_space<vmem>>, vector<16xf32>,
        %get3A_402 = arith.index_cast %add3A_332 : i32 to index
        %get3A_403 = arith.constant 112 : index
        %get3A_404 = tpu.vector_load %arg16[%get3A_402, %get3A_403] {strides = array<i32>} : memref<128x128xf32, #tpu.memory_space<vmem>>, vector<16xf32>,
        %sub3A_405 = arith.subf %get3A_401, %get3A_404 : vector<16xf32>
        %abs3A_406 = math.absf %sub3A_405 : vector<16xf32>
        %add3A_407 = arith.addf %add3A_389, %abs3A_406 : vector<16xf32>
        %add3A_408 = vector.broadcast %scan3A_328 : i32 to vector<16xi32>
        %add3A_409 = arith.addi %mul3A_27, %add3A_408 : vector<16xi32>
        %add3A_410 = arith.addf %add3A_398, %add3A_407 : vector<16xf32>
        tpu.vector_store_idx %arg12[%add3A_409], %add3A_410 : memref<272xf32, #tpu.memory_space<vmem>>[vector<16xi32>], vector<16xf32>,
        %scan3A_411 = arith.constant 0 : i32
        scf.yield %scan3A_411 : i32
      }
      %scan3A_270 = arith.constant 16 : i32
      %broadcast_in_dim3A_271 = arith.constant 0.000000e+00 : f32
      %broadcast_in_dim3A_272 = vector.broadcast %broadcast_in_dim3A_271 : f32 to vector<16xf32>
      %get3A = arith.constant 0 : index
      %get3A_273 = tpu.vector_load %arg12[%get3A] {strides = array<i32>} : memref<272xf32, #tpu.memory_space<vmem>>, vector<16xf32>,
      %add3A_274 = arith.addf %broadcast_in_dim3A_272, %get3A_273 : vector<16xf32>
      %get3A_275 = arith.constant 17 : index
      %get3A_276 = tpu.vector_load %arg12[%get3A_275] {strides = array<i32>} : memref<272xf32, #tpu.memory_space<vmem>>, vector<16xf32>,
      %add3A_277 = arith.addf %add3A_274, %get3A_276 : vector<16xf32>
      %get3A_278 = arith.constant 34 : index
      %get3A_279 = tpu.vector_load %arg12[%get3A_278] {strides = array<i32>} : memref<272xf32, #tpu.memory_space<vmem>>, vector<16xf32>,
      %add3A_280 = arith.addf %add3A_277, %get3A_279 : vector<16xf32>
      %get3A_281 = arith.constant 51 : index
      %get3A_282 = tpu.vector_load %arg12[%get3A_281] {strides = array<i32>} : memref<272xf32, #tpu.memory_space<vmem>>, vector<16xf32>,
      %add3A_283 = arith.addf %add3A_280, %get3A_282 : vector<16xf32>
      %get3A_284 = arith.constant 68 : index
      %get3A_285 = tpu.vector_load %arg12[%get3A_284] {strides = array<i32>} : memref<272xf32, #tpu.memory_space<vmem>>, vector<16xf32>,
      %add3A_286 = arith.addf %add3A_283, %get3A_285 : vector<16xf32>
      %get3A_287 = arith.constant 85 : index
      %get3A_288 = tpu.vector_load %arg12[%get3A_287] {strides = array<i32>} : memref<272xf32, #tpu.memory_space<vmem>>, vector<16xf32>,
      %add3A_289 = arith.addf %add3A_286, %get3A_288 : vector<16xf32>
      %get3A_290 = arith.constant 102 : index
      %get3A_291 = tpu.vector_load %arg12[%get3A_290] {strides = array<i32>} : memref<272xf32, #tpu.memory_space<vmem>>, vector<16xf32>,
      %add3A_292 = arith.addf %add3A_289, %get3A_291 : vector<16xf32>
      %get3A_293 = arith.constant 119 : index
      %get3A_294 = tpu.vector_load %arg12[%get3A_293] {strides = array<i32>} : memref<272xf32, #tpu.memory_space<vmem>>, vector<16xf32>,
      %add3A_295 = arith.addf %add3A_292, %get3A_294 : vector<16xf32>
      %get3A_296 = arith.constant 136 : index
      %get3A_297 = tpu.vector_load %arg12[%get3A_296] {strides = array<i32>} : memref<272xf32, #tpu.memory_space<vmem>>, vector<16xf32>,
      %add3A_298 = arith.addf %add3A_295, %get3A_297 : vector<16xf32>
      %get3A_299 = arith.constant 153 : index
      %get3A_300 = tpu.vector_load %arg12[%get3A_299] {strides = array<i32>} : memref<272xf32, #tpu.memory_space<vmem>>, vector<16xf32>,
      %add3A_301 = arith.addf %add3A_298, %get3A_300 : vector<16xf32>
      %get3A_302 = arith.constant 170 : index
      %get3A_303 = tpu.vector_load %arg12[%get3A_302] {strides = array<i32>} : memref<272xf32, #tpu.memory_space<vmem>>, vector<16xf32>,
      %add3A_304 = arith.addf %add3A_301, %get3A_303 : vector<16xf32>
      %get3A_305 = arith.constant 187 : index
      %get3A_306 = tpu.vector_load %arg12[%get3A_305] {strides = array<i32>} : memref<272xf32, #tpu.memory_space<vmem>>, vector<16xf32>,
      %add3A_307 = arith.addf %add3A_304, %get3A_306 : vector<16xf32>
      %get3A_308 = arith.constant 204 : index
      %get3A_309 = tpu.vector_load %arg12[%get3A_308] {strides = array<i32>} : memref<272xf32, #tpu.memory_space<vmem>>, vector<16xf32>,
      %add3A_310 = arith.addf %add3A_307, %get3A_309 : vector<16xf32>
      %get3A_311 = arith.constant 221 : index
      %get3A_312 = tpu.vector_load %arg12[%get3A_311] {strides = array<i32>} : memref<272xf32, #tpu.memory_space<vmem>>, vector<16xf32>,
      %add3A_313 = arith.addf %add3A_310, %get3A_312 : vector<16xf32>
      %get3A_314 = arith.constant 238 : index
      %get3A_315 = tpu.vector_load %arg12[%get3A_314] {strides = array<i32>} : memref<272xf32, #tpu.memory_space<vmem>>, vector<16xf32>,
      %add3A_316 = arith.addf %add3A_313, %get3A_315 : vector<16xf32>
      %get3A_317 = arith.constant 255 : index
      %get3A_318 = tpu.vector_load %arg12[%get3A_317] {strides = array<i32>} : memref<272xf32, #tpu.memory_space<vmem>>, vector<16xf32>,
      %add3A_319 = arith.addf %add3A_316, %get3A_318 : vector<16xf32>
      %sub3A = arith.constant 1.200000e+01 : f32
      %sub3A_320 = vector.broadcast %sub3A : f32 to vector<16xf32>
      %sub3A_321 = arith.subf %sub3A_320, %add3A_319 : vector<16xf32>
      %mul3A_322 = arith.constant 16 : i32
      %mul3A_323 = arith.muli %scan3A_262, %mul3A_322 : i32
      %add3A_324 = arith.constant 384 : i32
      %add3A_325 = arith.addi %add3A_324, %mul3A_323 : i32
      %swap3A = arith.index_cast %add3A_325 : i32 to index
      %swap3A_326 = tpu.vector_load %arg11[%swap3A] {strides = array<i32>} : memref<512xf32, #tpu.memory_space<vmem>>, vector<16xf32>,
      tpu.vector_store %arg11[%swap3A], %sub3A_321 {strides = array<i32>} : memref<512xf32, #tpu.memory_space<vmem>>, vector<16xf32>,
      %scan3A_327 = arith.constant 0 : i32
      scf.yield %scan3A_327 : i32
    }
    %scan3A_259 = arith.constant 8 : i32
    %mul3A_260 = arith.constant 512 : i32
    %mul3A_261 = arith.muli %add3A, %mul3A_260 : i32
    "tpu.region"() ({
      %run_scoped3A = tpu.sem_alloc : memref<!tpu.dma_semaphore, #tpu.memory_space<semaphore_mem>>
      %dma_start3A_262 = tpu.memref_slice %arg7[%mul3A_261] : memref<16384xf32, #tpu.memory_space<hbm>> -> memref<512xf32, #tpu.memory_space<hbm>>
      %dma_start3A_263 = tpu.memref_slice %arg7[%mul3A_261] : memref<16384xf32, #tpu.memory_space<hbm>> -> memref<512xf32, #tpu.memory_space<hbm>>
      tpu.enqueue_dma source(%arg11 : memref<512xf32, #tpu.memory_space<vmem>>) target(%dma_start3A_263 : memref<512xf32, #tpu.memory_space<hbm>>) target_semaphore(%run_scoped3A : memref<!tpu.dma_semaphore, #tpu.memory_space<semaphore_mem>>)
      %dma_wait3A_264 = tpu.memref_slice %arg7[%mul3A_261] : memref<16384xf32, #tpu.memory_space<hbm>> -> memref<512xf32, #tpu.memory_space<hbm>>
      %dma_wait3A_265 = tpu.memref_slice %arg7[%mul3A_261] : memref<16384xf32, #tpu.memory_space<hbm>> -> memref<512xf32, #tpu.memory_space<hbm>>
      tpu.wait_dma2 semaphore(%run_scoped3A : memref<!tpu.dma_semaphore, #tpu.memory_space<semaphore_mem>>) src(%arg11 : memref<512xf32, #tpu.memory_space<vmem>>) dst(%dma_wait3A_265 : memref<512xf32, #tpu.memory_space<hbm>>)
      tpu.yield
    }) : () -> ()
    return
  }
}

</mosaic_0001>

<sc_bundles>
// kernel: kernel.3.cloned.1.call-start
scs
__scs_entry_jumppad:
0x0: {  	(pc) =	sbr.rel $0x88, $3  }
0x1: {  	(tag) =	ssettag $0x0;
	lr =	simm.s32 $0x1  }
0x2: {  	[smem:$0x3F9E] =	sst lr;
	_ =	strace $0xD0000000  }
0x3: {  	_ = 	snop  }
0x4: {  	_ = 	snop  }
0x5: {  	_ = 	snop  }
0x6: {  	_ = 	snop  }
0x7: {  	_ = 	snop  }
__scs_overlays_trampoline_lowered:
0x8: {  	[smem:$0x3FAD] =	sst s0  }
0x9: {  	[smem:$0x3FAE] =	sst s1  }
0xa: {  	[smem:$0x3FAF] =	sst s2  }
0xb: {  	[smem:$0x3FB0] =	sst s3  }
0xc: {  	[smem:$0x3FB1] =	sst s4  }
0xd: {  	[smem:$0x3FB2] =	sst s5  }
0xe: {  	[smem:$0x3FB3] =	sst s6  }
0xf: {  	[smem:$0x3FB4] =	sst s7  }
0x10: {  	[smem:$0x3FB5] =	sst s8  }
0x11: {  	[smem:$0x3FB6] =	sst s9;
	s0 =	simm.s32 @!p0 $0x0  }
0x12: {  	s1 =	sld [smem:$0x3F9C];
	s0 =	simm.s32 @p0 $0x1  }
0x13: {  	[smem:$0x3FB7] =	sst s0;
	s0 =	simm.s32 @!p1 $0x0  }
0x14: {  	s2 =	sld [smem:$0x3F9B];
	s0 =	simm.s32 @p1 $0x1  }
0x15: {  	[smem:$0x3FB8] =	sst s0;
	s0 =	simm.s32 @!p2 $0x0  }
0x16: {  	s3 =	sld [smem:$0x3FDB];
	s0 =	simm.s32 @p2 $0x1  }
0x17: {  	s4 =	simm.s32 $0x1BF5;
	[smem:$0x3FBA] =	sst s0  }
0x18: {  	s0 =	sld [smem:$0x3F9D];
	_ =	swait.ge [sflag:s4], $0x0  }
0x19: {  	s7 =	sld [smem:$0x3F9E]  }
0x1a: {  	s8 =	sadd.s32 $0xFFFFE003, lr  }
0x1b: {  	s9 =	sadd.s32 $0xFFFFFEF7, lr;
	s5 =	simm.s32 $0xFFFFFFFF;
	p2 =	slt.u32 s8, $0xFFFFF086  }
0x1c: {  	p1 =	slt.u32 s9, $0xF7A;
	s5 =	simm.s32 @!p2 $0x0  }
0x1d: {  	s5 =	simm.s32 @p1 $0x1;
	p0 =	seq.s32 s7, s2  }
0x1e: {  	s7 =	smul.u32 @!p0 $0xF7A, s2;
	p2 =	seq.s32 @!p0 s5, $0x0  }
0x1f: {  	s9 =	smul.u32 $0xF7A, s1;
	s8 =	simm.s32 @!p0 $0x1BF5;
	p2 =	por !p2, p0  }
0x20: {  	[sflag:s8] =	ssyncset.s32 @!p0 $0xFFFFF086;
	s6 =	sadd.s32 @!p0 s3, s7;
	s7 =	simm.s32 @!p0 $0x108  }
0x21: {  	s3 =	sadd.s32 s3, s9;
	s6 =	sadd.s32 @!p0 $0x88, s6;
	s7 =	simm.s32 @p2 $0x1082  }
0x22: {  	[simem:s7], [sflag:s8] =	dma.local @!p0 [hbm:s6], $0xF7A  }
0x23: {  	s9 =	sor.u32 $0xD0000000, s2;
	s6 =	simm.s32 $0x108;
	_ =	swait.ge @!p0 [sflag:s8], $0x0  }
0x24: {  	s3 =	sadd.s32 $0x88, s3;
	s6 =	simm.s32 @!p1 $0x1082;
	[sflag:s4] =	ssyncset.s32 $0xFFFFF086  }
0x25: {  	[simem:s6], [sflag:s4] =	dma.local [hbm:s3], $0xF7A  }
0x26: {  	[smem:$0x3F9E] =	sst s1;
	(tag) =	ssettag s2;
	_ =	strace s9  }
0x27: {  	s1 =	sld [smem:$0x3FAE]  }
0x28: {  	s2 =	sld [smem:$0x3FAF]  }
0x29: {  	s4 =	sld [smem:$0x3FB1]  }
0x2a: {  	p0 =	seq.s32 s5, $0x0;
	s5 =	sld [smem:$0x3FB2]  }
0x2b: {  	s6 =	sld [smem:$0x3FB3]  }
0x2c: {  	s7 =	sld [smem:$0x3FB4]  }
0x2d: {  	s3 =	simm.s32 $0x108;
	s8 =	sld [smem:$0x3FB5]  }
0x2e: {  	s3 =	simm.s32 @!p0 $0x1082;
	s9 =	sld [smem:$0x3FB6]  }
0x2f: {  	lr =	sadd.s32 s0, s3;
	s0 =	sld [smem:$0x3FAD]  }
0x30: {  	s3 =	sld [smem:$0x3FB0]  }
0x31: {  	[smem:$0x3FB9] =	sst s10  }
0x32: {  	s10 =	sld [smem:$0x3FB7];
	_ =	sdelay $0x3  }
0x33: {  	p0 =	seq.s32 s10, $0x1;
	s10 =	sld [smem:$0x3FB9];
	_ =	sdelay $0x3  }
0x34: {  	[smem:$0x3FB9] =	sst s10  }
0x35: {  	s10 =	sld [smem:$0x3FB8];
	_ =	sdelay $0x3  }
0x36: {  	p1 =	seq.s32 s10, $0x1;
	s10 =	sld [smem:$0x3FB9];
	_ =	sdelay $0x3  }
0x37: {  	[smem:$0x3FB9] =	sst s10  }
0x38: {  	s10 =	sld [smem:$0x3FBA]  }
0x39: {  	_ = 	snop;
	(pc) =	sbr.ind lr, $3  }
0x3a: {  	_ = 	snop  }
0x3b: {  	_ = 	snop  }
0x3c: {  	p2 =	seq.s32 s10, $0x1;
	s10 =	sld [smem:$0x3FB9]  }
0x3d: {  	_ =	shalt  }
0x3e: {  	_ =	shalt  }
0x3f: {  	_ =	shalt  }
0x40: {  	_ =	shalt  }
0x41: {  	_ =	shalt  }
0x42: {  	_ =	shalt  }
0x43: {  	_ =	shalt  }
0x44: {  	_ =	shalt  }
0x45: {  	_ =	shalt  }
0x46: {  	_ =	shalt  }
0x47: {  	_ =	shalt  }
0x48: {  	_ =	shalt  }
0x49: {  	_ =	shalt  }
0x4a: {  	_ =	shalt  }
0x4b: {  	_ =	shalt  }
0x4c: {  	_ =	shalt  }
0x4d: {  	_ =	shalt  }
0x4e: {  	_ =	shalt  }
0x4f: {  	_ =	shalt  }
0x50: {  	_ =	shalt  }
0x51: {  	_ =	shalt  }
0x52: {  	_ =	shalt  }
0x53: {  	_ =	shalt  }
0x54: {  	_ =	shalt  }
0x55: {  	_ =	shalt  }
0x56: {  	_ =	shalt  }
0x57: {  	_ =	shalt  }
0x58: {  	_ =	shalt  }
0x59: {  	_ =	shalt  }
0x5a: {  	_ =	shalt  }
0x5b: {  	_ =	shalt  }
0x5c: {  	_ =	shalt  }
0x5d: {  	_ =	shalt  }
0x5e: {  	_ =	shalt  }
0x5f: {  	_ =	shalt  }
0x60: {  	_ =	shalt  }
0x61: {  	_ =	shalt  }
0x62: {  	_ =	shalt  }
0x63: {  	_ =	shalt  }
0x64: {  	_ =	shalt  }
0x65: {  	_ =	shalt  }
0x66: {  	_ =	shalt  }
0x67: {  	_ =	shalt  }
0x68: {  	_ =	shalt  }
0x69: {  	_ =	shalt  }
0x6a: {  	_ =	shalt  }
0x6b: {  	_ =	shalt  }
0x6c: {  	_ =	shalt  }
0x6d: {  	_ =	shalt  }
0x6e: {  	_ =	shalt  }
0x6f: {  	_ =	shalt  }
0x70: {  	_ =	shalt  }
0x71: {  	_ =	shalt  }
0x72: {  	_ =	shalt  }
0x73: {  	_ =	shalt  }
0x74: {  	_ =	shalt  }
0x75: {  	_ =	shalt  }
0x76: {  	_ =	shalt  }
0x77: {  	_ =	shalt  }
0x78: {  	_ =	shalt  }
0x79: {  	_ =	shalt  }
0x7a: {  	_ =	shalt  }
0x7b: {  	_ =	shalt  }
0x7c: {  	_ =	shalt  }
0x7d: {  	_ =	shalt  }
0x7e: {  	_ =	shalt  }
0x7f: {  	_ =	shalt  }
0x80: {  	_ =	shalt  }
0x81: {  	_ =	shalt  }
0x82: {  	_ =	shalt  }
0x83: {  	_ =	shalt  }
0x84: {  	_ =	shalt  }
0x85: {  	_ =	shalt  }
0x86: {  	_ =	shalt  }
0x87: {  	_ =	shalt  }
.Lfunc_end0:
.L_simem_size_0:
called_computation_lowered:
.L_overlay_start_0:
0x88: {  	s2 =	sld [smem:$0x3FD9]  }
0x89: {  	s3 =	sld [smem:$0x3FFE];
	_ =	sdelay $0x1  }
0x8a: {  	s1 =	srdreg.scid  }
0x8b: {  	s0 =	sand.u32 $0x1, s1  }
0x8c: {  	s17 =	sshll.u32 s0, $0xA;
	s2 =	sadd.s32 s3, s2  }
0x8d: {  	s2 =	sadd.s32 s2, s17  }
0x8e: {  	[smem:$0x3FC5] =	sst s2  }
0x8f: {  	_ = 	snop  }
0x90: {  	s2 =	sld [smem:$0x3FC8]  }
0x91: {  	s18 =	sld [smem:$0x3FC7]  }
0x92: {  	s4 =	sld [smem:$0x3FD0];
	(tm) =	ssettm $0x1  }
0x93: {  	s5 =	sld [smem:$0x3FFB];
	_ =	sdelay $0x3  }
0x94: {  	_ =	strace s5  }
0x95: {  	s5 =	sld [smem:$0x3FFC];
	_ =	sdelay $0x3  }
0x96: {  	_ =	strace s5  }
0x97: {  	s5 =	sld [smem:$0x3FFD];
	_ =	sdelay $0x3  }
0x98: {  	_ =	strace s5  }
0x99: {  	_ =	strace $0x8FFFFFFF  }
0x9a: {  	s19 =	sld [smem:$0x3FDB];
	_ =	sdelay $0x1  }
0x9b: {  	s6 =	simm.s32 $_scs_section_size  }
0x9c: {  	s7 =	simm.s32 $_size__tile_overlayer_lowered;
	s8 =	simm.s32 $_tile_overlayer_lowered  }
0x9d: {  	s22 =	simm.s32 $0x1BFF;
	s21 =	sshll.u32 s8, $0x1;
	s5 =	sadd.s32 s6, s19  }
0x9e: {  	s9 =	simm.s32 $0x0;
	s20 =	sshll.u32 s7, $0x1;
	s7 =	sadd.s32 s21, s5  }
0x9f: {  	[timem:s9], [sflag:s22] =	dma.local [hbm:s7], s20  }
0xa0: {  	_ =	swait.ge [sflag:s22], s20  }
0xa1: {  	s6 =	ssub.s32 $0x0, s20;
	[sflag:s22] =	ssyncset.done $0x0  }
0xa2: {  	[sflag:s22] =	ssyncadd.s32 s6;
	_ =	sdelay $0x1  }
0xa3: {  	s23 =	simm.s32 $0x1B8B  }
0xa4: {  	_ =	swait.ge [sflag:s23], $0x1  }
0xa5: {  	[sflag:s23] =	ssyncset.done $0x0  }
0xa6: {  	s25 =	simm.s32 $0x1B8E;
	s24 =	sld [smem:$0x3FFE];
	[sflag:s23] =	ssyncadd.s32 $0xFFFFFFFF  }
0xa7: {  	s26 =	simm.s32 $execute0_lowered;
	[smem:$0x3FD2] =	sst s25  }
0xa8: {  	s7 =	sshll.u32 s26, $0x1;
	_ =	strace $0x80000046;
	[dreg:$0x1] =	wrdreg $0xFFFFFFFF  }
0xa9: {  	s28 =	simm.s32 $_size_execute0_lowered;
	s5 =	sadd.s32 s5, s7;
	[dreg:$0x0] =	wrdreg $0x0  }
0xaa: {  	s7 =	sshll.u32 s28, $0x1;
	[dreg:$0x2] =	wrdreg s5  }
0xab: {  	[dreg:$0x3] =	wrdreg s7  }
0xac: {  	[dreg:$0x4] =	wrdreg $0xC0  }
0xad: {  	_ =	task [dreg:s9], $0x5FFFF  }
0xae: {  	[dreg:$0x1] =	wrdreg $0xFFFFFFFF  }
0xaf: {  	[dreg:$0x0] =	wrdreg $0x60  }
0xb0: {  	[dreg:$0x2] =	wrdreg s24  }
0xb1: {  	[dreg:$0x3] =	wrdreg s2  }
0xb2: {  	[dreg:$0x4] =	wrdreg s18  }
0xb3: {  	[dreg:$0x5] =	wrdreg s4  }
0xb4: {  	[dreg:$0x6] =	wrdreg $0x9  }
0xb5: {  	_ =	task.clear_ibuf [dreg:s9], $0x7FFFF;
	_ =	strace $0x90000046  }
0xb6: {  	s29 =	simm.s32 $0x9;
	_ =	strace $0x80000048  }
0xb7: {  	_ =	swait.ge [sflag:s29], $0x1  }
0xb8: {  	[sflag:s29] =	ssyncadd.s32 $0xFFFFFFFF  }
0xb9: {  	_ =	strace $0x90000048  }
0xba: {  	_ =	sfence  }
0xbb: {  	s30 =	sld [smem:$0x0];
	_ =	sdelay $0x2  }
0xbc: {  	s31 =	sshll.u32 s1, $0xD;
	s1 =	sshrl.u32 s1, $0x2  }
0xbd: {  	s3 =	sand.u32 $0x4000, s31;
	s1 =	sadd.s32 s1, s30  }
0xbe: {  	s0 =	sor.u32 s3, s0;
	s1 =	sshll.u32 s1, $0x11  }
0xbf: {  	s0 =	sor.u32 s1, s0  }
0xc0: {  	s0 =	sadd.s32 $0x8F2B, s0  }
0xc1: {  	[sflag:s0] =	ssyncadd.remote.s32 $0x1  }
0xc2: {  	_ =	sfence.sel $0xFFFF  }
0xc3: {  	[dreg:$0x0] =	wrdreg $0xFFFFFFFF;
	(pc) =	sbr.abs _section_cstart, $3  }
0xc4: {  	[dreg:$0x1] =	wrdreg $0xFFFFFFFF  }
0xc5: {  	_ =	task.clear_ibuf [dreg:s9], $0x2FFFF;
	_ =	strace $0x9FFFFFFF  }
0xc6: {  	(tm) =	ssettm $0x7FFFFFFF  }
0xc7: {  	_ =	shalt  }
tec
execute0_lowered:
.L_overlay_start_1:
0x0: {  	(tag) =	ssettag $0x1  }
0x1: {  	s0 =	rddreg [dreg:$0x0]  }
0x2: {  	s1 =	rddreg [dreg:$0x1]  }
0x3: {  	s3 =	rddreg [dreg:$0x2]  }
0x4: {  	s2 =	rddreg [dreg:$0x3]  }
0x5: {  	s4 =	srdreg.scid;
	s6 =	stileid.u32;
	s10 =	simm.s32 $0x200  }
0x6: {  	s11 =	simm.s32 $0x400;
	s12 =	simm.s32 $0x1;
	s13 =	simm.s32 $0x80  }
0x7: {  	s14 =	simm.s32 $0x980;
	s15 =	simm.s32 $0x4980;
	s16 =	simm.s32 $0x8980  }
0x8: {  	s19 =	simm.s32 $0xC980;
	s20 =	simm.s32 $0x800;
	s24 =	simm.s32 $0x2  }
0x9: {  	s28 =	simm.s32 $0x580;
	s29 =	simm.s32 $0x600;
	s30 =	simm.s32 $0x3  }
0xa: {  	s31 =	simm.s32 $0x0;
	s5 =	sand.u32 $0x1, s4;
	s4 =	simm.s32 $0x0  }
0xb: {  	s6 =	sshll.u32 s6, $0x7;
	s7 =	sshll.u32 s5, $0x6;
	s5 =	ssub.s32 $0x2, s5  }
0xc: {  	[smem:$0x7FF] =	sst s4;
	s8 =	sor.u32 s7, s6;
	s26 =	sshrl.u32 s5, $0x1  }
0xd: {  	_ =	strace $0x80000047;
	s0 =	sadd.s32 s8, s0;
	s9 =	ssub.s32 s5, s26  }
0xe: {  	v1 =	vlaneseq.u32;
	s8 =	sadd.s32 s2, s8;
	s26 =	simm.s32 $0x380;
	s5 =	sadd.s32 $0x1600, s0  }
0xf: {  	v0 =	vimm.f32 $0.0e+00;
	v1 =	vmul.u32 $0x11, v1;
	s6 =	sadd.s32 $0xE00, s0;
	s7 =	sadd.s32 $0x600, s0;
	s9 =	smax.u32 s9, $0x1  }
.LBB2_1:
0x10: {  	[tilespmem:s4], [sflag:$0x1] =	stream.linear.gather [hbm4b:s5+s4], $0x200, $0x38;
	[tilespmem:$0x10980] =	vst v63  }
0x11: {  	_ = 	snop  }
0x12: {  	[tilespmem:s10], [sflag:$0x1] =	stream.linear.gather [hbm4b:s6+s4], $0x200, $0x38;
	[tilespmem:$0x10980] =	vst v63  }
0x13: {  	s0 =	simm.s32 $0x0;
	s2 =	simm.s32 $0x200  }
0x14: {  	[tilespmem:s11], [sflag:$0x1] =	stream.linear.gather [hbm4b:s7+s4], $0x200, $0x38;
	[tilespmem:$0x10980] =	vst v63  }
.LBB2_2:
0x15: {  	p0 =	sne.s32 s2, $0xFE00;
	[tilespmem:s0+$0x9F0] =	vst v0  }
0x16: {  	[tilespmem:s0+$0x980] =	vst v0  }
0x17: {  	[tilespmem:s0+$0x990] =	vst v0  }
.Ltmp0:
0x18: {  	[tilespmem:s0+$0x9A0] =	vst v0;
	(pc) =	sbr.rel @p0 .LBB2_2-.Ltmp0, $4  }
0x19: {  	[tilespmem:s0+$0x9B0] =	vst v0  }
0x1a: {  	[tilespmem:s0+$0x9C0] =	vst v0  }
0x1b: {  	[tilespmem:s0+$0x9D0] =	vst v0  }
0x1c: {  	[tilespmem:s0+$0x9E0] =	vst v0;
	s0 =	sshra.s32 s2, $0x2;
	s2 =	sadd.s32 $0x200, s2  }
0x1d: {  	[tilespmem:s0+$0x9F0] =	vst v0  }
0x1e: {  	[tilespmem:s0+$0x980] =	vst v0  }
0x1f: {  	[tilespmem:s0+$0x990] =	vst v0  }
0x20: {  	[tilespmem:s0+$0x9A0] =	vst v0  }
0x21: {  	[tilespmem:s0+$0x9B0] =	vst v0  }
0x22: {  	[tilespmem:s0+$0x9C0] =	vst v0  }
0x23: {  	[tilespmem:s0+$0x9D0] =	vst v0  }
0x24: {  	[tilespmem:s0+$0x9E0] =	vst v0;
	s0 =	simm.s32 $0x0;
	s2 =	simm.s32 $0x200  }
.LBB2_4:
0x25: {  	p0 =	sne.s32 s2, $0xFE00;
	[tilespmem:s0+$0x89F0] =	vst v0  }
0x26: {  	[tilespmem:s0+$0x8980] =	vst v0  }
0x27: {  	[tilespmem:s0+$0x8990] =	vst v0  }
.Ltmp1:
0x28: {  	[tilespmem:s0+$0x89A0] =	vst v0;
	(pc) =	sbr.rel @p0 .LBB2_4-.Ltmp1, $4  }
0x29: {  	[tilespmem:s0+$0x89B0] =	vst v0  }
0x2a: {  	[tilespmem:s0+$0x89C0] =	vst v0  }
0x2b: {  	[tilespmem:s0+$0x89D0] =	vst v0  }
0x2c: {  	[tilespmem:s0+$0x89E0] =	vst v0;
	s0 =	sshra.s32 s2, $0x2;
	s2 =	sadd.s32 $0x200, s2  }
0x2d: {  	[tilespmem:s0+$0x89F0] =	vst v0  }
0x2e: {  	[tilespmem:s0+$0x8980] =	vst v0  }
0x2f: {  	[tilespmem:s0+$0x8990] =	vst v0  }
0x30: {  	[tilespmem:s0+$0x89A0] =	vst v0  }
0x31: {  	[tilespmem:s0+$0x89B0] =	vst v0  }
0x32: {  	[tilespmem:s0+$0x89C0] =	vst v0  }
0x33: {  	[tilespmem:s0+$0x89D0] =	vst v0  }
0x34: {  	[tilespmem:s0+$0x89E0] =	vst v0  }
0x35: {  	_ =	swait.ge [sflag:s12], $0x200  }
0x36: {  	[sflag:s12] =	ssyncset.done $0x0  }
0x37: {  	[sflag:s12] =	ssyncadd.s32 $0xFFFFFE00  }
0x38: {  	_ =	swait.ge [sflag:s12], $0x200  }
0x39: {  	[sflag:s12] =	ssyncset.done $0x0  }
0x3a: {  	[sflag:s12] =	ssyncadd.s32 $0xFFFFFE00  }
0x3b: {  	_ =	swait.ge [sflag:s12], $0x200  }
0x3c: {  	[sflag:s12] =	ssyncset.done $0x0  }
0x3d: {  	s0 =	simm.s32 $0x0;
	[sflag:s12] =	ssyncadd.s32 $0xFFFFFE00  }
0x3e: {  	[tilespmem:s14], [sflag:$0x1] =	stream.indirect.gather.add.f32 [hbm:s1], $0x80, s0, s13, $0xb8;
	[tilespmem:$0x10980] =	vst v63  }
0x3f: {  	_ = 	snop  }
0x40: {  	[tilespmem:s14], [sflag:$0x1] =	stream.indirect.gather.add.f32 [hbm:s3], $0x80, s10, s13, $0xb8;
	[tilespmem:$0x10980] =	vst v63  }
0x41: {  	_ = 	snop  }
0x42: {  	[tilespmem:s15], [sflag:$0x1] =	stream.indirect.gather [hbm4b:s1+s13], $0x80, s11, s13, $0xb8;
	[tilespmem:$0x10980] =	vst v63  }
0x43: {  	_ = 	snop  }
0x44: {  	[tilespmem:s16], [sflag:$0x2] =	stream.indirect.gather.add.f32 [hbm:s1], $0x80, s13, s13, $0xb8;
	[tilespmem:$0x10980] =	vst v63  }
0x45: {  	s2 =	simm.s32 $0x280  }
0x46: {  	[tilespmem:s16], [sflag:$0x2] =	stream.indirect.gather.add.f32 [hbm:s3], $0x80, s2, s13, $0xb8;
	[tilespmem:$0x10980] =	vst v63  }
0x47: {  	s25 =	simm.s32 $0x480  }
0x48: {  	[tilespmem:s19], [sflag:$0x2] =	stream.indirect.gather [hbm4b:s1+s13], $0x80, s25, s13, $0xb8;
	[tilespmem:$0x10980] =	vst v63  }
0x49: {  	_ =	swait.ge [sflag:s12], $0x4000  }
0x4a: {  	[sflag:s12] =	ssyncset.done $0x0  }
0x4b: {  	[sflag:s12] =	ssyncadd.s32 $0xFFFFC000  }
0x4c: {  	_ =	swait.ge [sflag:s12], $0x4000  }
0x4d: {  	[sflag:s12] =	ssyncset.done $0x0  }
0x4e: {  	[sflag:s12] =	ssyncadd.s32 $0xFFFFC000  }
0x4f: {  	_ =	swait.ge [sflag:s12], $0x4000  }
0x50: {  	s22 =	simm.s32 $0x9C0;
	[sflag:s12] =	ssyncset.done $0x0  }
0x51: {  	s23 =	simm.s32 $0x49C0;
	s18 =	simm.s32 $0x0;
	[sflag:s12] =	ssyncadd.s32 $0xFFFFC000  }
.LBB2_6:
0x52: {  	v2 =	vld [tilespmem:s23+$0xFFFFFFF0]  }
0x53: {  	v3 =	vld [tilespmem:s23+$0xFFFFFFD0]  }
0x54: {  	v4 =	vld [tilespmem:s22+$0xFFFFFFD0]  }
0x55: {  	v5 =	vld [tilespmem:s22+$0xFFFFFFF0]  }
0x56: {  	v6 =	vld [tilespmem:s23+$0x10]  }
0x57: {  	v7 =	vld [tilespmem:s22+$0x10]  }
0x58: {  	v9 =	vld [tilespmem:s22+$0xFFFFFFC0]  }
0x59: {  	v10 =	vld [tilespmem:s23+$0xFFFFFFE0]  }
0x5a: {  	v11 =	vld [tilespmem:s22+$0xFFFFFFE0]  }
0x5b: {  	v12 =	vld [tilespmem:s23+$0xFFFFFFC0]  }
0x5c: {  	v13 =	vld [tilespmem:s23+$0x0]  }
0x5d: {  	v14 =	vld [tilespmem:s22+$0x0]  }
0x5e: {  	v15 =	vld [tilespmem:s23+$0x30]  }
0x5f: {  	v16 =	vld [tilespmem:s22+$0x30];
	_ =	sdelay $0x1  }
0x60: {  	v8 =	vld [tilespmem:s23+$0x20];
	v3 =	vsub.f32 v4, v3  }
0x61: {  	v2 =	vsub.f32 v5, v2;
	v4 =	vld [tilespmem:s22+$0x20];
	v5 =	vsub.f32 v11, v10  }
0x62: {  	v9 =	vsub.f32 v9, v12;
	v6 =	vsub.f32 v7, v6  }
0x63: {  	v61 =	vsub.f32 v14, v13;
	v63 =	vsub.f32 v16, v15;
	v3 =	vand.u32 $0x7FFFFFFF, v3  }
0x64: {  	v2 =	vand.u32 $0x7FFFFFFF, v2;
	v9 =	vand.u32 $0x7FFFFFFF, v9;
	v5 =	vand.u32 $0x7FFFFFFF, v5  }
0x65: {  	[tilespmem:s22+$0xFFFFFFC0] =	vst v0;
	v2 =	vadd.f32 v2, v3;
	v5 =	vadd.f32 v5, v9  }
0x66: {  	[tilespmem:s22+$0xFFFFFFD0] =	vst v0;
	v62 =	vand.u32 $0x7FFFFFFF, v61;
	v3 =	vand.u32 $0x7FFFFFFF, v6;
	v4 =	vsub.f32 v4, v8  }
0x67: {  	[tilespmem:s22+$0xFFFFFFE0] =	vst v0;
	v2 =	vadd.f32 v3, v2;
	v3 =	vadd.f32 v62, v5  }
0x68: {  	[tilespmem:s22+$0x0] =	vst v0;
	v5 =	vand.u32 $0x7FFFFFFF, v63;
	v4 =	vand.u32 $0x7FFFFFFF, v4  }
0x69: {  	[tilespmem:s22+$0xFFFFFFF0] =	vst v0;
	v3 =	vadd.f32 v4, v3;
	v4 =	vadd.f32 v5, v2;
	v2 =	vadd.s32 s0, v1  }
0x6a: {  	[tilespmem:s22+$0x10] =	vst v0  }
0x6b: {  	[tilespmem:s22+$0x30] =	vst v0  }
0x6c: {  	s21 =	simm.s32 $0x1;
	s2 =	smov.u32 s22;
	s17 =	smov.u32 s23;
	[tilespmem:s22+$0x20] =	vst v0;
	v3 =	vadd.f32 v4, v3  }
.LBB2_7:
0x6d: {  	_ = 	snop  }
0x6e: {  	p0 =	sne.s32 s21, $0xF;
	s2 =	sadd.s32 $0x80, s2;
	s17 =	sadd.s32 $0x80, s17;
	[tilespmem:v2+s20+$0x0] =	vst.idx.msk $0xffff, v3  }
0x6f: {  	s25 =	smov.u32 s21;
	s21 =	sadd.s32 $0x1, s21;
	v2 =	vld [tilespmem:s17+$0xFFFFFFF0]  }
0x70: {  	v3 =	vld [tilespmem:s17+$0xFFFFFFD0]  }
0x71: {  	v4 =	vld [tilespmem:s2+$0xFFFFFFD0]  }
0x72: {  	v5 =	vld [tilespmem:s2+$0xFFFFFFF0]  }
0x73: {  	v6 =	vld [tilespmem:s17+$0x10]  }
0x74: {  	v7 =	vld [tilespmem:s2+$0x10]  }
0x75: {  	v8 =	vld [tilespmem:s17+$0x20]  }
0x76: {  	v3 =	vsub.f32 v4, v3;
	v4 =	vld [tilespmem:s17+$0x30]  }
0x77: {  	v9 =	vld [tilespmem:s2+$0xFFFFFFC0];
	v2 =	vsub.f32 v5, v2  }
0x78: {  	v5 =	vld [tilespmem:s17+$0xFFFFFFE0]  }
0x79: {  	v3 =	vand.u32 $0x7FFFFFFF, v3;
	v10 =	vld [tilespmem:s2+$0xFFFFFFE0];
	v2 =	vand.u32 $0x7FFFFFFF, v2;
	v6 =	vsub.f32 v7, v6  }
0x7a: {  	v7 =	vld [tilespmem:s17+$0xFFFFFFC0];
	v2 =	vadd.f32 v2, v3  }
0x7b: {  	v3 =	vld [tilespmem:s17+$0x0];
	v6 =	vand.u32 $0x7FFFFFFF, v6  }
0x7c: {  	v11 =	vld [tilespmem:s2+$0x0];
	v6 =	vadd.f32 v6, v2;
	[tilespmem:s2+$0xFFFFFFC0] =	vst v0  }
0x7d: {  	v2 =	vld [tilespmem:s2+$0x30];
	[tilespmem:s2+$0xFFFFFFD0] =	vst v0  }
0x7e: {  	v5 =	vsub.f32 v10, v5;
	v10 =	vld [tilespmem:s2+$0x20];
	[tilespmem:s2+$0xFFFFFFE0] =	vst v0  }
0x7f: {  	v7 =	vsub.f32 v9, v7;
	[tilespmem:s2+$0x0] =	vst v0  }
0x80: {  	[tilespmem:s2+$0xFFFFFFF0] =	vst v0  }
0x81: {  	v5 =	vand.u32 $0x7FFFFFFF, v5;
	v7 =	vand.u32 $0x7FFFFFFF, v7;
	v3 =	vsub.f32 v11, v3;
	[tilespmem:s2+$0x10] =	vst v0  }
0x82: {  	v5 =	vadd.f32 v5, v7;
	[tilespmem:s2+$0x20] =	vst v0  }
0x83: {  	v2 =	vsub.f32 v2, v4;
	v3 =	vand.u32 $0x7FFFFFFF, v3;
	v7 =	vsub.f32 v10, v8;
	[tilespmem:s2+$0x30] =	vst v0  }
.Ltmp2:
0x84: {  	v3 =	vadd.f32 v3, v5;
	(pc) =	sbr.rel @p0 .LBB2_7-.Ltmp2, $3  }
0x85: {  	v5 =	vand.u32 $0x7FFFFFFF, v2;
	v2 =	vadd.s32 s25, v1;
	v4 =	vand.u32 $0x7FFFFFFF, v7  }
0x86: {  	v3 =	vadd.f32 v4, v3;
	v4 =	vadd.f32 v5, v6;
	_ =	sdelay $0x1  }
0x87: {  	v3 =	vadd.f32 v4, v3  }
0x88: {  	_ =	sdelay $0x3  }
0x89: {  	[tilespmem:v2+s20+$0x0] =	vst.idx.msk $0xffff, v3  }
0x8a: {  	v2 =	vld [tilespmem:$0x800];
	_ =	sdelay $0x1  }
0x8b: {  	v3 =	vld [tilespmem:$0x811];
	_ =	sdelay $0x1  }
0x8c: {  	v4 =	vld [tilespmem:$0x822]  }
0x8d: {  	v2 =	vadd.f32 $0.0e+00, v2  }
0x8e: {  	v5 =	vld [tilespmem:$0x833]  }
0x8f: {  	v2 =	vadd.f32 v3, v2  }
0x90: {  	v3 =	vld [tilespmem:$0x844]  }
0x91: {  	v2 =	vadd.f32 v4, v2  }
0x92: {  	v56 =	vld [tilespmem:$0x855]  }
0x93: {  	v2 =	vadd.f32 v5, v2  }
0x94: {  	v57 =	vld [tilespmem:$0x866]  }
0x95: {  	v2 =	vadd.f32 v3, v2  }
0x96: {  	v3 =	vld [tilespmem:$0x877]  }
0x97: {  	v2 =	vadd.f32 v56, v2  }
0x98: {  	v58 =	vld [tilespmem:$0x888]  }
0x99: {  	v2 =	vadd.f32 v57, v2  }
0x9a: {  	v59 =	vld [tilespmem:$0x899]  }
0x9b: {  	v2 =	vadd.f32 v3, v2  }
0x9c: {  	v3 =	vld [tilespmem:$0x8AA]  }
0x9d: {  	v2 =	vadd.f32 v58, v2  }
0x9e: {  	v60 =	vld [tilespmem:$0x8BB]  }
0x9f: {  	v2 =	vadd.f32 v59, v2  }
0xa0: {  	v61 =	vld [tilespmem:$0x8CC]  }
0xa1: {  	v2 =	vadd.f32 v3, v2  }
0xa2: {  	v3 =	vld [tilespmem:$0x8DD]  }
0xa3: {  	v2 =	vadd.f32 v60, v2  }
0xa4: {  	v62 =	vld [tilespmem:$0x8EE]  }
0xa5: {  	v2 =	vadd.f32 v61, v2  }
0xa6: {  	v63 =	vld [tilespmem:$0x8FF]  }
0xa7: {  	v2 =	vadd.f32 v3, v2;
	_ =	sdelay $0x1  }
0xa8: {  	s2 =	sshll.u32 s18, $0x4;
	s18 =	sadd.s32 $0x1, s18;
	v2 =	vadd.f32 v62, v2  }
0xa9: {  	p0 =	sne.s32 s18, $0x8  }
.Ltmp3:
0xaa: {  	v2 =	vadd.f32 v63, v2;
	(pc) =	sbr.rel @p0 .LBB2_6-.Ltmp3, $4  }
0xab: {  	_ = 	snop  }
0xac: {  	v2 =	vsub.f32 $1.200000000e+01, v2  }
0xad: {  	s2 =	sand.u32 $0x3FFFFFF0, s2  }
0xae: {  	s22 =	sadd.s32 $0x800, s22;
	s23 =	sadd.s32 $0x800, s23;
	[tilespmem:s2+$0x600] =	vst v2  }
0xaf: {  	s0 =	simm.s32 $0x100  }
0xb0: {  	[tilespmem:s14], [sflag:$0x1] =	stream.indirect.gather.add.f32 [hbm:s1], $0x80, s0, s13, $0xb8;
	[tilespmem:$0x10980] =	vst v63  }
0xb1: {  	s23 =	simm.s32 $0x300  }
0xb2: {  	[tilespmem:s14], [sflag:$0x1] =	stream.indirect.gather.add.f32 [hbm:s3], $0x80, s23, s13, $0xb8;
	[tilespmem:$0x10980] =	vst v63  }
0xb3: {  	s25 =	simm.s32 $0x500  }
0xb4: {  	[tilespmem:s15], [sflag:$0x1] =	stream.indirect.gather [hbm4b:s1+s13], $0x80, s25, s13, $0xb8;
	[tilespmem:$0x10980] =	vst v63  }
0xb5: {  	_ =	swait.ge [sflag:s24], $0x4000  }
0xb6: {  	[sflag:s24] =	ssyncset.done $0x0  }
0xb7: {  	[sflag:s24] =	ssyncadd.s32 $0xFFFFC000  }
0xb8: {  	_ =	swait.ge [sflag:s24], $0x4000  }
0xb9: {  	[sflag:s24] =	ssyncset.done $0x0  }
0xba: {  	[sflag:s24] =	ssyncadd.s32 $0xFFFFC000  }
0xbb: {  	_ =	swait.ge [sflag:s24], $0x4000  }
0xbc: {  	s2 =	simm.s32 $0x89C0;
	s17 =	simm.s32 $0xC9C0;
	[sflag:s24] =	ssyncset.done $0x0  }
0xbd: {  	s18 =	simm.s32 $0x0;
	s0 =	simm.s32 $0x0;
	[sflag:s24] =	ssyncadd.s32 $0xFFFFC000  }
.LBB2_10:
0xbe: {  	v2 =	vld [tilespmem:s17+$0xFFFFFFF0]  }
0xbf: {  	v3 =	vld [tilespmem:s17+$0xFFFFFFD0]  }
0xc0: {  	v4 =	vld [tilespmem:s2+$0xFFFFFFD0]  }
0xc1: {  	v5 =	vld [tilespmem:s2+$0xFFFFFFF0]  }
0xc2: {  	v6 =	vld [tilespmem:s17+$0x10]  }
0xc3: {  	v7 =	vld [tilespmem:s2+$0x10]  }
0xc4: {  	v9 =	vld [tilespmem:s2+$0xFFFFFFC0]  }
0xc5: {  	v10 =	vld [tilespmem:s17+$0xFFFFFFE0]  }
0xc6: {  	v11 =	vld [tilespmem:s2+$0xFFFFFFE0]  }
0xc7: {  	v12 =	vld [tilespmem:s17+$0xFFFFFFC0]  }
0xc8: {  	v13 =	vld [tilespmem:s17+$0x0]  }
0xc9: {  	v14 =	vld [tilespmem:s2+$0x0]  }
0xca: {  	v15 =	vld [tilespmem:s17+$0x30]  }
0xcb: {  	v16 =	vld [tilespmem:s2+$0x30];
	_ =	sdelay $0x1  }
0xcc: {  	v8 =	vld [tilespmem:s17+$0x20];
	v3 =	vsub.f32 v4, v3  }
0xcd: {  	v2 =	vsub.f32 v5, v2;
	v4 =	vld [tilespmem:s2+$0x20];
	v5 =	vsub.f32 v11, v10  }
0xce: {  	v9 =	vsub.f32 v9, v12;
	v6 =	vsub.f32 v7, v6  }
0xcf: {  	v61 =	vsub.f32 v14, v13;
	v63 =	vsub.f32 v16, v15;
	v3 =	vand.u32 $0x7FFFFFFF, v3  }
0xd0: {  	v2 =	vand.u32 $0x7FFFFFFF, v2;
	v9 =	vand.u32 $0x7FFFFFFF, v9;
	v5 =	vand.u32 $0x7FFFFFFF, v5  }
0xd1: {  	[tilespmem:s2+$0xFFFFFFC0] =	vst v0;
	v2 =	vadd.f32 v2, v3;
	v5 =	vadd.f32 v5, v9  }
0xd2: {  	[tilespmem:s2+$0xFFFFFFD0] =	vst v0;
	v62 =	vand.u32 $0x7FFFFFFF, v61;
	v3 =	vand.u32 $0x7FFFFFFF, v6;
	v4 =	vsub.f32 v4, v8  }
0xd3: {  	[tilespmem:s2+$0xFFFFFFE0] =	vst v0;
	v2 =	vadd.f32 v3, v2;
	v3 =	vadd.f32 v62, v5  }
0xd4: {  	[tilespmem:s2+$0x0] =	vst v0;
	v5 =	vand.u32 $0x7FFFFFFF, v63;
	v4 =	vand.u32 $0x7FFFFFFF, v4  }
0xd5: {  	[tilespmem:s2+$0xFFFFFFF0] =	vst v0;
	v3 =	vadd.f32 v4, v3;
	v4 =	vadd.f32 v5, v2;
	v2 =	vadd.s32 s0, v1  }
0xd6: {  	[tilespmem:s2+$0x10] =	vst v0  }
0xd7: {  	[tilespmem:s2+$0x30] =	vst v0  }
0xd8: {  	s21 =	simm.s32 $0x1;
	s22 =	smov.u32 s2;
	s23 =	smov.u32 s17;
	[tilespmem:s2+$0x20] =	vst v0;
	v3 =	vadd.f32 v4, v3  }
.LBB2_11:
0xd9: {  	_ = 	snop  }
0xda: {  	p0 =	sne.s32 s21, $0xF;
	s22 =	sadd.s32 $0x80, s22;
	s23 =	sadd.s32 $0x80, s23;
	[tilespmem:v2+s20+$0x0] =	vst.idx.msk $0xffff, v3  }
0xdb: {  	s25 =	smov.u32 s21;
	s21 =	sadd.s32 $0x1, s21;
	v2 =	vld [tilespmem:s23+$0xFFFFFFF0]  }
0xdc: {  	v3 =	vld [tilespmem:s23+$0xFFFFFFD0]  }
0xdd: {  	v4 =	vld [tilespmem:s22+$0xFFFFFFD0]  }
0xde: {  	v5 =	vld [tilespmem:s22+$0xFFFFFFF0]  }
0xdf: {  	v6 =	vld [tilespmem:s23+$0x10]  }
0xe0: {  	v7 =	vld [tilespmem:s22+$0x10]  }
0xe1: {  	v8 =	vld [tilespmem:s23+$0x20]  }
0xe2: {  	v3 =	vsub.f32 v4, v3;
	v4 =	vld [tilespmem:s23+$0x30]  }
0xe3: {  	v9 =	vld [tilespmem:s22+$0xFFFFFFC0];
	v2 =	vsub.f32 v5, v2  }
0xe4: {  	v5 =	vld [tilespmem:s23+$0xFFFFFFE0]  }
0xe5: {  	v3 =	vand.u32 $0x7FFFFFFF, v3;
	v10 =	vld [tilespmem:s22+$0xFFFFFFE0];
	v2 =	vand.u32 $0x7FFFFFFF, v2;
	v6 =	vsub.f32 v7, v6  }
0xe6: {  	v7 =	vld [tilespmem:s23+$0xFFFFFFC0];
	v2 =	vadd.f32 v2, v3  }
0xe7: {  	v3 =	vld [tilespmem:s23+$0x0];
	v6 =	vand.u32 $0x7FFFFFFF, v6  }
0xe8: {  	v11 =	vld [tilespmem:s22+$0x0];
	v6 =	vadd.f32 v6, v2;
	[tilespmem:s22+$0xFFFFFFC0] =	vst v0  }
0xe9: {  	v2 =	vld [tilespmem:s22+$0x30];
	[tilespmem:s22+$0xFFFFFFD0] =	vst v0  }
0xea: {  	v5 =	vsub.f32 v10, v5;
	v10 =	vld [tilespmem:s22+$0x20];
	[tilespmem:s22+$0xFFFFFFE0] =	vst v0  }
0xeb: {  	v7 =	vsub.f32 v9, v7;
	[tilespmem:s22+$0x0] =	vst v0  }
0xec: {  	[tilespmem:s22+$0xFFFFFFF0] =	vst v0  }
0xed: {  	v5 =	vand.u32 $0x7FFFFFFF, v5;
	v7 =	vand.u32 $0x7FFFFFFF, v7;
	v3 =	vsub.f32 v11, v3;
	[tilespmem:s22+$0x10] =	vst v0  }
0xee: {  	v5 =	vadd.f32 v5, v7;
	[tilespmem:s22+$0x20] =	vst v0  }
0xef: {  	v2 =	vsub.f32 v2, v4;
	v3 =	vand.u32 $0x7FFFFFFF, v3;
	v7 =	vsub.f32 v10, v8;
	[tilespmem:s22+$0x30] =	vst v0  }
.Ltmp4:
0xf0: {  	v3 =	vadd.f32 v3, v5;
	(pc) =	sbr.rel @p0 .LBB2_11-.Ltmp4, $3  }
0xf1: {  	v5 =	vand.u32 $0x7FFFFFFF, v2;
	v2 =	vadd.s32 s25, v1;
	v4 =	vand.u32 $0x7FFFFFFF, v7  }
0xf2: {  	v3 =	vadd.f32 v4, v3;
	v4 =	vadd.f32 v5, v6;
	_ =	sdelay $0x1  }
0xf3: {  	v3 =	vadd.f32 v4, v3  }
0xf4: {  	_ =	sdelay $0x3  }
0xf5: {  	[tilespmem:v2+s20+$0x0] =	vst.idx.msk $0xffff, v3  }
0xf6: {  	v2 =	vld [tilespmem:$0x800];
	_ =	sdelay $0x1  }
0xf7: {  	v3 =	vld [tilespmem:$0x811];
	_ =	sdelay $0x1  }
0xf8: {  	v4 =	vld [tilespmem:$0x822]  }
0xf9: {  	v2 =	vadd.f32 $0.0e+00, v2  }
0xfa: {  	v5 =	vld [tilespmem:$0x833]  }
0xfb: {  	v2 =	vadd.f32 v3, v2  }
0xfc: {  	v3 =	vld [tilespmem:$0x844]  }
0xfd: {  	v2 =	vadd.f32 v4, v2  }
0xfe: {  	v56 =	vld [tilespmem:$0x855]  }
0xff: {  	v2 =	vadd.f32 v5, v2  }
0x100: {  	v57 =	vld [tilespmem:$0x866]  }
0x101: {  	v2 =	vadd.f32 v3, v2  }
0x102: {  	v3 =	vld [tilespmem:$0x877]  }
0x103: {  	v2 =	vadd.f32 v56, v2  }
0x104: {  	v58 =	vld [tilespmem:$0x888]  }
0x105: {  	v2 =	vadd.f32 v57, v2  }
0x106: {  	v59 =	vld [tilespmem:$0x899]  }
0x107: {  	v2 =	vadd.f32 v3, v2  }
0x108: {  	v3 =	vld [tilespmem:$0x8AA]  }
0x109: {  	v2 =	vadd.f32 v58, v2  }
0x10a: {  	v60 =	vld [tilespmem:$0x8BB]  }
0x10b: {  	v2 =	vadd.f32 v59, v2  }
0x10c: {  	v61 =	vld [tilespmem:$0x8CC]  }
0x10d: {  	v2 =	vadd.f32 v3, v2  }
0x10e: {  	v3 =	vld [tilespmem:$0x8DD]  }
0x10f: {  	v2 =	vadd.f32 v60, v2  }
0x110: {  	v62 =	vld [tilespmem:$0x8EE]  }
0x111: {  	v2 =	vadd.f32 v61, v2  }
0x112: {  	v63 =	vld [tilespmem:$0x8FF]  }
0x113: {  	v2 =	vadd.f32 v3, v2;
	_ =	sdelay $0x1  }
0x114: {  	s21 =	sshll.u32 s18, $0x4;
	s18 =	sadd.s32 $0x1, s18;
	v2 =	vadd.f32 v62, v2  }
0x115: {  	p0 =	sne.s32 s18, $0x8  }
.Ltmp5:
0x116: {  	v2 =	vadd.f32 v63, v2;
	(pc) =	sbr.rel @p0 .LBB2_10-.Ltmp5, $4  }
0x117: {  	_ = 	snop  }
0x118: {  	v2 =	vsub.f32 $1.200000000e+01, v2  }
0x119: {  	s21 =	sand.u32 $0x3FFFFFF0, s21  }
0x11a: {  	s2 =	sadd.s32 $0x800, s2;
	s17 =	sadd.s32 $0x800, s17;
	[tilespmem:s21+$0x680] =	vst v2  }
0x11b: {  	s0 =	simm.s32 $0x180  }
0x11c: {  	[tilespmem:s16], [sflag:$0x2] =	stream.indirect.gather.add.f32 [hbm:s1], $0x80, s0, s13, $0xb8;
	[tilespmem:$0x10980] =	vst v63  }
0x11d: {  	_ = 	snop  }
0x11e: {  	[tilespmem:s16], [sflag:$0x2] =	stream.indirect.gather.add.f32 [hbm:s3], $0x80, s26, s13, $0xb8;
	[tilespmem:$0x10980] =	vst v63  }
0x11f: {  	_ = 	snop  }
0x120: {  	[tilespmem:s19], [sflag:$0x2] =	stream.indirect.gather [hbm4b:s1+s13], $0x80, s28, s13, $0xb8;
	[tilespmem:$0x10980] =	vst v63  }
0x121: {  	_ =	swait.ge [sflag:s12], $0x4000  }
0x122: {  	[sflag:s12] =	ssyncset.done $0x0  }
0x123: {  	[sflag:s12] =	ssyncadd.s32 $0xFFFFC000  }
0x124: {  	_ =	swait.ge [sflag:s12], $0x4000  }
0x125: {  	[sflag:s12] =	ssyncset.done $0x0  }
0x126: {  	[sflag:s12] =	ssyncadd.s32 $0xFFFFC000  }
0x127: {  	_ =	swait.ge [sflag:s12], $0x4000  }
0x128: {  	s2 =	simm.s32 $0x9C0;
	s17 =	simm.s32 $0x49C0;
	[sflag:s12] =	ssyncset.done $0x0  }
0x129: {  	s18 =	simm.s32 $0x0;
	s0 =	simm.s32 $0x0;
	[sflag:s12] =	ssyncadd.s32 $0xFFFFC000  }
.LBB2_14:
0x12a: {  	v2 =	vld [tilespmem:s17+$0xFFFFFFF0]  }
0x12b: {  	v3 =	vld [tilespmem:s17+$0xFFFFFFD0]  }
0x12c: {  	v4 =	vld [tilespmem:s2+$0xFFFFFFD0]  }
0x12d: {  	v5 =	vld [tilespmem:s2+$0xFFFFFFF0]  }
0x12e: {  	v6 =	vld [tilespmem:s17+$0x10]  }
0x12f: {  	v7 =	vld [tilespmem:s2+$0x10]  }
0x130: {  	v8 =	vld [tilespmem:s17+$0x30]  }
0x131: {  	v9 =	vld [tilespmem:s2+$0xFFFFFFC0]  }
0x132: {  	v10 =	vld [tilespmem:s17+$0xFFFFFFE0]  }
0x133: {  	v11 =	vld [tilespmem:s2+$0xFFFFFFE0]  }
0x134: {  	v12 =	vld [tilespmem:s17+$0xFFFFFFC0]  }
0x135: {  	v13 =	vld [tilespmem:s17+$0x0]  }
0x136: {  	v14 =	vld [tilespmem:s2+$0x0]  }
0x137: {  	v15 =	vld [tilespmem:s2+$0x30];
	_ =	sdelay $0x1  }
0x138: {  	v16 =	vld [tilespmem:s17+$0x20];
	v3 =	vsub.f32 v4, v3  }
0x139: {  	v2 =	vsub.f32 v5, v2;
	v4 =	vld [tilespmem:s2+$0x20];
	v5 =	vsub.f32 v11, v10  }
0x13a: {  	v9 =	vsub.f32 v9, v12;
	v6 =	vsub.f32 v7, v6  }
0x13b: {  	v62 =	vsub.f32 v14, v13;
	v63 =	vsub.f32 v15, v8;
	v3 =	vand.u32 $0x7FFFFFFF, v3  }
0x13c: {  	v2 =	vand.u32 $0x7FFFFFFF, v2;
	v9 =	vand.u32 $0x7FFFFFFF, v9;
	v5 =	vand.u32 $0x7FFFFFFF, v5  }
0x13d: {  	v2 =	vadd.f32 v2, v3;
	v5 =	vadd.f32 v5, v9  }
0x13e: {  	v7 =	vand.u32 $0x7FFFFFFF, v62;
	v3 =	vand.u32 $0x7FFFFFFF, v6;
	v4 =	vsub.f32 v4, v16  }
0x13f: {  	v2 =	vadd.f32 v3, v2;
	v3 =	vadd.f32 v7, v5  }
0x140: {  	v5 =	vand.u32 $0x7FFFFFFF, v63;
	v4 =	vand.u32 $0x7FFFFFFF, v4  }
0x141: {  	v3 =	vadd.f32 v4, v3;
	v4 =	vadd.f32 v5, v2;
	v2 =	vadd.s32 s0, v1;
	_ =	sdelay $0x2  }
0x142: {  	s21 =	simm.s32 $0x1;
	s22 =	smov.u32 s2;
	s23 =	smov.u32 s17;
	v3 =	vadd.f32 v4, v3  }
.LBB2_15:
0x143: {  	_ = 	snop  }
0x144: {  	p0 =	sne.s32 s21, $0xF;
	s22 =	sadd.s32 $0x80, s22;
	s23 =	sadd.s32 $0x80, s23;
	[tilespmem:v2+s20+$0x0] =	vst.idx.msk $0xffff, v3  }
0x145: {  	s25 =	smov.u32 s21;
	s21 =	sadd.s32 $0x1, s21;
	v2 =	vld [tilespmem:s23+$0xFFFFFFF0]  }
0x146: {  	v3 =	vld [tilespmem:s23+$0xFFFFFFD0]  }
0x147: {  	v4 =	vld [tilespmem:s22+$0xFFFFFFD0]  }
0x148: {  	v5 =	vld [tilespmem:s22+$0xFFFFFFF0]  }
0x149: {  	v6 =	vld [tilespmem:s23+$0x10]  }
0x14a: {  	v7 =	vld [tilespmem:s22+$0x10]  }
0x14b: {  	v8 =	vld [tilespmem:s23+$0x30]  }
0x14c: {  	v3 =	vsub.f32 v4, v3;
	v4 =	vld [tilespmem:s22+$0x30]  }
0x14d: {  	v9 =	vld [tilespmem:s22+$0xFFFFFFC0];
	v2 =	vsub.f32 v5, v2  }
0x14e: {  	v5 =	vld [tilespmem:s23+$0xFFFFFFE0]  }
0x14f: {  	v3 =	vand.u32 $0x7FFFFFFF, v3;
	v10 =	vld [tilespmem:s22+$0xFFFFFFE0];
	v2 =	vand.u32 $0x7FFFFFFF, v2;
	v6 =	vsub.f32 v7, v6  }
0x150: {  	v7 =	vld [tilespmem:s23+$0xFFFFFFC0];
	v2 =	vadd.f32 v2, v3  }
0x151: {  	v3 =	vld [tilespmem:s23+$0x0];
	v6 =	vand.u32 $0x7FFFFFFF, v6;
	v4 =	vsub.f32 v4, v8  }
0x152: {  	v8 =	vld [tilespmem:s22+$0x0];
	v6 =	vadd.f32 v6, v2  }
0x153: {  	v2 =	vld [tilespmem:s23+$0x20]  }
0x154: {  	v5 =	vsub.f32 v10, v5;
	v10 =	vld [tilespmem:s22+$0x20]  }
0x155: {  	v7 =	vsub.f32 v9, v7;
	_ =	sdelay $0x1  }
0x156: {  	v5 =	vand.u32 $0x7FFFFFFF, v5;
	v7 =	vand.u32 $0x7FFFFFFF, v7;
	v3 =	vsub.f32 v8, v3  }
0x157: {  	v5 =	vadd.f32 v5, v7  }
0x158: {  	v3 =	vand.u32 $0x7FFFFFFF, v3;
	v2 =	vsub.f32 v10, v2  }
.Ltmp6:
0x159: {  	v3 =	vadd.f32 v3, v5;
	(pc) =	sbr.rel @p0 .LBB2_15-.Ltmp6, $3  }
0x15a: {  	v4 =	vand.u32 $0x7FFFFFFF, v4;
	v5 =	vand.u32 $0x7FFFFFFF, v2;
	v2 =	vadd.s32 s25, v1  }
0x15b: {  	v4 =	vadd.f32 v4, v6;
	v3 =	vadd.f32 v5, v3;
	_ =	sdelay $0x1  }
0x15c: {  	v3 =	vadd.f32 v4, v3  }
0x15d: {  	_ =	sdelay $0x3  }
0x15e: {  	[tilespmem:v2+s20+$0x0] =	vst.idx.msk $0xffff, v3  }
0x15f: {  	v2 =	vld [tilespmem:$0x800];
	_ =	sdelay $0x1  }
0x160: {  	v3 =	vld [tilespmem:$0x811];
	_ =	sdelay $0x1  }
0x161: {  	v4 =	vld [tilespmem:$0x822]  }
0x162: {  	v2 =	vadd.f32 $0.0e+00, v2  }
0x163: {  	v5 =	vld [tilespmem:$0x833]  }
0x164: {  	v2 =	vadd.f32 v3, v2  }
0x165: {  	v3 =	vld [tilespmem:$0x844]  }
0x166: {  	v2 =	vadd.f32 v4, v2  }
0x167: {  	v56 =	vld [tilespmem:$0x855]  }
0x168: {  	v2 =	vadd.f32 v5, v2  }
0x169: {  	v57 =	vld [tilespmem:$0x866]  }
0x16a: {  	v2 =	vadd.f32 v3, v2  }
0x16b: {  	v3 =	vld [tilespmem:$0x877]  }
0x16c: {  	v2 =	vadd.f32 v56, v2  }
0x16d: {  	v58 =	vld [tilespmem:$0x888]  }
0x16e: {  	v2 =	vadd.f32 v57, v2  }
0x16f: {  	v59 =	vld [tilespmem:$0x899]  }
0x170: {  	v2 =	vadd.f32 v3, v2  }
0x171: {  	v3 =	vld [tilespmem:$0x8AA]  }
0x172: {  	v2 =	vadd.f32 v58, v2  }
0x173: {  	v60 =	vld [tilespmem:$0x8BB]  }
0x174: {  	v2 =	vadd.f32 v59, v2  }
0x175: {  	v61 =	vld [tilespmem:$0x8CC]  }
0x176: {  	v2 =	vadd.f32 v3, v2  }
0x177: {  	v3 =	vld [tilespmem:$0x8DD]  }
0x178: {  	v2 =	vadd.f32 v60, v2  }
0x179: {  	v62 =	vld [tilespmem:$0x8EE]  }
0x17a: {  	v2 =	vadd.f32 v61, v2  }
0x17b: {  	v63 =	vld [tilespmem:$0x8FF]  }
0x17c: {  	v2 =	vadd.f32 v3, v2;
	_ =	sdelay $0x1  }
0x17d: {  	s21 =	sshll.u32 s18, $0x4;
	s18 =	sadd.s32 $0x1, s18;
	v2 =	vadd.f32 v62, v2  }
0x17e: {  	p0 =	sne.s32 s18, $0x8  }
.Ltmp7:
0x17f: {  	v2 =	vadd.f32 v63, v2;
	(pc) =	sbr.rel @p0 .LBB2_14-.Ltmp7, $4  }
0x180: {  	_ = 	snop  }
0x181: {  	v2 =	vsub.f32 $1.200000000e+01, v2  }
0x182: {  	s21 =	sand.u32 $0x3FFFFFF0, s21  }
0x183: {  	s2 =	sadd.s32 $0x800, s2;
	s17 =	sadd.s32 $0x800, s17;
	[tilespmem:s21+$0x700] =	vst v2  }
0x184: {  	_ =	swait.ge [sflag:s24], $0x4000  }
0x185: {  	[sflag:s24] =	ssyncset.done $0x0  }
0x186: {  	[sflag:s24] =	ssyncadd.s32 $0xFFFFC000  }
0x187: {  	_ =	swait.ge [sflag:s24], $0x4000  }
0x188: {  	[sflag:s24] =	ssyncset.done $0x0  }
0x189: {  	[sflag:s24] =	ssyncadd.s32 $0xFFFFC000  }
0x18a: {  	_ =	swait.ge [sflag:s24], $0x4000  }
0x18b: {  	s0 =	simm.s32 $0x0;
	s2 =	simm.s32 $0x89C0;
	[sflag:s24] =	ssyncset.done $0x0  }
0x18c: {  	s17 =	simm.s32 $0xC9C0;
	s18 =	simm.s32 $0x0;
	[sflag:s24] =	ssyncadd.s32 $0xFFFFC000  }
.LBB2_18:
0x18d: {  	v2 =	vld [tilespmem:s17+$0xFFFFFFF0]  }
0x18e: {  	v3 =	vld [tilespmem:s17+$0xFFFFFFD0]  }
0x18f: {  	v4 =	vld [tilespmem:s2+$0xFFFFFFD0]  }
0x190: {  	v5 =	vld [tilespmem:s2+$0xFFFFFFF0]  }
0x191: {  	v6 =	vld [tilespmem:s17+$0x10]  }
0x192: {  	v7 =	vld [tilespmem:s2+$0x10]  }
0x193: {  	v8 =	vld [tilespmem:s17+$0x30]  }
0x194: {  	v9 =	vld [tilespmem:s2+$0xFFFFFFC0]  }
0x195: {  	v10 =	vld [tilespmem:s17+$0xFFFFFFE0]  }
0x196: {  	v11 =	vld [tilespmem:s2+$0xFFFFFFE0]  }
0x197: {  	v12 =	vld [tilespmem:s17+$0xFFFFFFC0]  }
0x198: {  	v13 =	vld [tilespmem:s17+$0x0]  }
0x199: {  	v14 =	vld [tilespmem:s2+$0x0]  }
0x19a: {  	v15 =	vld [tilespmem:s2+$0x30];
	_ =	sdelay $0x1  }
0x19b: {  	v16 =	vld [tilespmem:s17+$0x20];
	v3 =	vsub.f32 v4, v3  }
0x19c: {  	v2 =	vsub.f32 v5, v2;
	v4 =	vld [tilespmem:s2+$0x20];
	v5 =	vsub.f32 v11, v10  }
0x19d: {  	v9 =	vsub.f32 v9, v12;
	v6 =	vsub.f32 v7, v6  }
0x19e: {  	v62 =	vsub.f32 v14, v13;
	v63 =	vsub.f32 v15, v8;
	v3 =	vand.u32 $0x7FFFFFFF, v3  }
0x19f: {  	v2 =	vand.u32 $0x7FFFFFFF, v2;
	v9 =	vand.u32 $0x7FFFFFFF, v9;
	v5 =	vand.u32 $0x7FFFFFFF, v5  }
0x1a0: {  	v2 =	vadd.f32 v2, v3;
	v5 =	vadd.f32 v5, v9  }
0x1a1: {  	v7 =	vand.u32 $0x7FFFFFFF, v62;
	v3 =	vand.u32 $0x7FFFFFFF, v6;
	v4 =	vsub.f32 v4, v16  }
0x1a2: {  	v2 =	vadd.f32 v3, v2;
	v3 =	vadd.f32 v7, v5  }
0x1a3: {  	v5 =	vand.u32 $0x7FFFFFFF, v63;
	v4 =	vand.u32 $0x7FFFFFFF, v4  }
0x1a4: {  	v3 =	vadd.f32 v4, v3;
	v4 =	vadd.f32 v5, v2;
	v2 =	vadd.s32 s0, v1;
	_ =	sdelay $0x2  }
0x1a5: {  	s21 =	simm.s32 $0x1;
	s22 =	smov.u32 s2;
	s23 =	smov.u32 s17;
	v3 =	vadd.f32 v4, v3  }
.LBB2_19:
0x1a6: {  	_ = 	snop  }
0x1a7: {  	p0 =	sne.s32 s21, $0xF;
	s22 =	sadd.s32 $0x80, s22;
	s23 =	sadd.s32 $0x80, s23;
	[tilespmem:v2+s20+$0x0] =	vst.idx.msk $0xffff, v3  }
0x1a8: {  	s25 =	smov.u32 s21;
	s21 =	sadd.s32 $0x1, s21;
	v2 =	vld [tilespmem:s23+$0xFFFFFFF0]  }
0x1a9: {  	v3 =	vld [tilespmem:s23+$0xFFFFFFD0]  }
0x1aa: {  	v4 =	vld [tilespmem:s22+$0xFFFFFFD0]  }
0x1ab: {  	v5 =	vld [tilespmem:s22+$0xFFFFFFF0]  }
0x1ac: {  	v6 =	vld [tilespmem:s23+$0x10]  }
0x1ad: {  	v7 =	vld [tilespmem:s22+$0x10]  }
0x1ae: {  	v8 =	vld [tilespmem:s23+$0x30]  }
0x1af: {  	v3 =	vsub.f32 v4, v3;
	v4 =	vld [tilespmem:s22+$0x30]  }
0x1b0: {  	v9 =	vld [tilespmem:s22+$0xFFFFFFC0];
	v2 =	vsub.f32 v5, v2  }
0x1b1: {  	v5 =	vld [tilespmem:s23+$0xFFFFFFE0]  }
0x1b2: {  	v3 =	vand.u32 $0x7FFFFFFF, v3;
	v10 =	vld [tilespmem:s22+$0xFFFFFFE0];
	v2 =	vand.u32 $0x7FFFFFFF, v2;
	v6 =	vsub.f32 v7, v6  }
0x1b3: {  	v7 =	vld [tilespmem:s23+$0xFFFFFFC0];
	v2 =	vadd.f32 v2, v3  }
0x1b4: {  	v3 =	vld [tilespmem:s23+$0x0];
	v6 =	vand.u32 $0x7FFFFFFF, v6;
	v4 =	vsub.f32 v4, v8  }
0x1b5: {  	v8 =	vld [tilespmem:s22+$0x0];
	v6 =	vadd.f32 v6, v2  }
0x1b6: {  	v2 =	vld [tilespmem:s23+$0x20]  }
0x1b7: {  	v5 =	vsub.f32 v10, v5;
	v10 =	vld [tilespmem:s22+$0x20]  }
0x1b8: {  	v7 =	vsub.f32 v9, v7;
	_ =	sdelay $0x1  }
0x1b9: {  	v5 =	vand.u32 $0x7FFFFFFF, v5;
	v7 =	vand.u32 $0x7FFFFFFF, v7;
	v3 =	vsub.f32 v8, v3  }
0x1ba: {  	v5 =	vadd.f32 v5, v7  }
0x1bb: {  	v3 =	vand.u32 $0x7FFFFFFF, v3;
	v2 =	vsub.f32 v10, v2  }
.Ltmp8:
0x1bc: {  	v3 =	vadd.f32 v3, v5;
	(pc) =	sbr.rel @p0 .LBB2_19-.Ltmp8, $3  }
0x1bd: {  	v4 =	vand.u32 $0x7FFFFFFF, v4;
	v5 =	vand.u32 $0x7FFFFFFF, v2;
	v2 =	vadd.s32 s25, v1  }
0x1be: {  	v4 =	vadd.f32 v4, v6;
	v3 =	vadd.f32 v5, v3;
	_ =	sdelay $0x1  }
0x1bf: {  	v3 =	vadd.f32 v4, v3  }
0x1c0: {  	_ =	sdelay $0x3  }
0x1c1: {  	[tilespmem:v2+s20+$0x0] =	vst.idx.msk $0xffff, v3  }
0x1c2: {  	v2 =	vld [tilespmem:$0x800];
	_ =	sdelay $0x1  }
0x1c3: {  	v3 =	vld [tilespmem:$0x811];
	_ =	sdelay $0x1  }
0x1c4: {  	v4 =	vld [tilespmem:$0x822]  }
0x1c5: {  	v2 =	vadd.f32 $0.0e+00, v2  }
0x1c6: {  	v5 =	vld [tilespmem:$0x833]  }
0x1c7: {  	v2 =	vadd.f32 v3, v2  }
0x1c8: {  	v3 =	vld [tilespmem:$0x844]  }
0x1c9: {  	v2 =	vadd.f32 v4, v2  }
0x1ca: {  	v56 =	vld [tilespmem:$0x855]  }
0x1cb: {  	v2 =	vadd.f32 v5, v2  }
0x1cc: {  	v57 =	vld [tilespmem:$0x866]  }
0x1cd: {  	v2 =	vadd.f32 v3, v2  }
0x1ce: {  	v3 =	vld [tilespmem:$0x877]  }
0x1cf: {  	v2 =	vadd.f32 v56, v2  }
0x1d0: {  	v58 =	vld [tilespmem:$0x888]  }
0x1d1: {  	v2 =	vadd.f32 v57, v2  }
0x1d2: {  	v59 =	vld [tilespmem:$0x899]  }
0x1d3: {  	v2 =	vadd.f32 v3, v2  }
0x1d4: {  	v3 =	vld [tilespmem:$0x8AA]  }
0x1d5: {  	v2 =	vadd.f32 v58, v2  }
0x1d6: {  	v60 =	vld [tilespmem:$0x8BB]  }
0x1d7: {  	v2 =	vadd.f32 v59, v2  }
0x1d8: {  	v61 =	vld [tilespmem:$0x8CC]  }
0x1d9: {  	v2 =	vadd.f32 v3, v2  }
0x1da: {  	v3 =	vld [tilespmem:$0x8DD]  }
0x1db: {  	v2 =	vadd.f32 v60, v2  }
0x1dc: {  	v62 =	vld [tilespmem:$0x8EE]  }
0x1dd: {  	v2 =	vadd.f32 v61, v2  }
0x1de: {  	v63 =	vld [tilespmem:$0x8FF]  }
0x1df: {  	v2 =	vadd.f32 v3, v2;
	_ =	sdelay $0x1  }
0x1e0: {  	s21 =	sshll.u32 s18, $0x4;
	s18 =	sadd.s32 $0x1, s18;
	v2 =	vadd.f32 v62, v2  }
0x1e1: {  	p0 =	sne.s32 s18, $0x8  }
.Ltmp9:
0x1e2: {  	v2 =	vadd.f32 v63, v2;
	(pc) =	sbr.rel @p0 .LBB2_18-.Ltmp9, $4  }
0x1e3: {  	_ = 	snop  }
0x1e4: {  	v2 =	vsub.f32 $1.200000000e+01, v2  }
0x1e5: {  	s21 =	sand.u32 $0x3FFFFFF0, s21  }
0x1e6: {  	s2 =	sadd.s32 $0x800, s2;
	s17 =	sadd.s32 $0x800, s17;
	[tilespmem:s21+$0x780] =	vst v2  }
0x1e7: {  	s31 =	sadd.s32 $0x1, s31  }
0x1e8: {  	p0 =	sne.s32 s31, s9  }
.Ltmp10:
0x1e9: {  	_ = 	snop;
	(pc) =	sbr.rel @p0 .LBB2_1-.Ltmp10, $4  }
0x1ea: {  	[hbm4b:s8+s4] =	stream.linear.scatter [tilespmem:s29], [sflag:$0x3], $0x200, $0x38;
	[tilespmem:$0x10980] =	vst v63  }
0x1eb: {  	_ =	swait.ge [sflag:s30], $0x200  }
0x1ec: {  	[sflag:s30] =	ssyncset.done $0x0  }
0x1ed: {  	[sflag:s30] =	ssyncadd.s32 $0xFFFFFE00  }
0x1ee: {  	_ =	sfence.sel $0x180000  }
0x1ef: {  	[bflag:$0x0] =	sbarrier.arrive $0xFFFF  }
0x1f0: {  	_ =	strace $0x90000047  }
0x1f1: {  	s0 =	stileid.u32;
	[bflag:$0x2] =	sbarrier.arrive $0xFFFF  }
0x1f2: {  	p0 =	sne.s32 s0, $0x0;
	s0 =	rddreg [dreg:$0x4]  }
0x1f3: {  	s0 =	sadd.s32 @!p0 $0x100000, s0  }
0x1f4: {  	[sflag:s0] =	ssyncadd.tile.s32 @!p0 $0x1;
	_ =	shalt  }
.Lfunc_end2:
_tile_overlayer_lowered:
.L_overlay_start_2:
0x1f5: {  	(tag) =	ssettag $0x2  }
0x1f6: {  	s0 =	rddreg [dreg:$0x0];
	s2 =	stileid.u32  }
0x1f7: {  	s1 =	rddreg [dreg:$0x1];
	p0 =	sne.s32 s2, $0x0  }
0x1f8: {  	s3 =	rddreg [dreg:$0x2];
	[bflag:$0x3] =	sbarrier.arrive $0xFFFF;
	s2 =	simm.s32 @!p0 $0x1C03  }
0x1f9: {  	[timem:s3], [sflag:s2] =	dma.local @!p0 [hbm:s0], s1  }
0x1fa: {  	s0 =	simm.s32 @!p0 $0x3  }
0x1fb: {  	_ =	swait.ge @!p0 [sflag:s0], s1  }
0x1fc: {  	s1 =	ssub.s32 @!p0 $0x0, s1;
	[sflag:s0] =	ssyncset.done @!p0 $0x0  }
0x1fd: {  	[sflag:s0] =	ssyncadd.s32 @!p0 s1  }
0x1fe: {  	[bflag:$0x3] =	sbarrier.arrive $0xFFFF  }
0x1ff: {  	_ =	shalt  }

</sc_bundles>
